<compile_context>
chip_gen: v7x
topology: tpu7x:2x2x1
jax: 0.10.2.dev20260603
libtpu: 0.0.44.dev20260713+nightly
codegen_flags: <defaults>
</compile_context>

<pallas_src>
import functools

import jax
import jax.numpy as jnp
from jax import lax
from jax.experimental import pallas as pl
from jax.experimental.pallas import tpu as pltpu
from jax.experimental.pallas import tpu_sc as plsc

N = 100000
E2 = 400000
H = 128
NC = 2
NS = 16
NW = NC * NS
EPW = E2 // NW
ROW = 128
RPT = (EPW + ROW - 1) // ROW
DEPTH = 14
EPW_PAD = RPT * ROW
CHUNK = 6272
NPAD = CHUNK * NS
DUMP = N

BN = 12544
NB = NPAD // BN
DPAD = 16


def _sc_body(edges_hbm, out_hbm, out1_hbm, idx_v, ones_v, zbuf_v, shared, sem):
    c = lax.axis_index("c")
    s = lax.axis_index("s")
    w = c * NS + s
    pltpu.sync_copy(edges_hbm.at[w], idx_v)

    def fill_ones(k, carry):
        ones_v[pl.ds(k * 16, 16)] = jnp.ones((16,), jnp.int32)
        return carry

    lax.fori_loop(0, ROW // 16, fill_ones, 0)

    def fill_zero(k, carry):
        zbuf_v[pl.ds(k * 16, 16)] = jnp.zeros((16,), jnp.int32)
        return carry

    lax.fori_loop(0, CHUNK // 16, fill_zero, 0)
    pltpu.sync_copy(zbuf_v, shared.at[pl.ds(s * CHUNK, CHUNK)])
    plsc.subcore_barrier()

    def step(g, carry):
        descs = [
            pltpu.async_copy(ones_v, shared.at[idx_v.at[g * DEPTH + k]],
                             sem, add=True)
            for k in range(DEPTH)
        ]
        for dsc in descs:
            dsc.wait()
        return carry

    lax.fori_loop(0, RPT // DEPTH, step, 0)
    plsc.subcore_barrier()

    @pl.when(c == 0)
    def _():
        pltpu.sync_copy(shared.at[pl.ds(s * CHUNK, CHUNK)],
                        out_hbm.at[pl.ds(s * CHUNK, CHUNK)])

    @pl.when(c == 1)
    def _():
        pltpu.sync_copy(shared.at[pl.ds(s * CHUNK, CHUNK)],
                        out1_hbm.at[pl.ds(s * CHUNK, CHUNK)])


def _sc_bincount(edges_p):
    mesh = plsc.VectorSubcoreMesh(core_axis_name="c", subcore_axis_name="s")
    kern = functools.partial(
        pl.kernel,
        out_type=(jax.ShapeDtypeStruct((NPAD,), jnp.int32),
                  jax.ShapeDtypeStruct((NPAD,), jnp.int32)),
        mesh=mesh,
        scratch_types=[
            pltpu.VMEM((RPT, ROW), jnp.int32),
            pltpu.VMEM((ROW,), jnp.int32),
            pltpu.VMEM((CHUNK,), jnp.int32),
            pltpu.VMEM_SHARED((NPAD,), jnp.int32),
            pltpu.SemaphoreType.DMA,
        ],
    )(_sc_body)
    return kern(edges_p)


def _tc_body(c0_ref, c1_ref, xt_ref, w_ref, out_ref):
    d = (c0_ref[0, 0, :] + c1_ref[0, 0, :]) // 2
    d = jnp.minimum(d, 9)
    oh = (d[:, None] == lax.broadcasted_iota(jnp.int32, (BN, DPAD), 1)
          ).astype(jnp.float32)
    h = lax.dot_general(xt_ref[...], w_ref[:7, :],
                        dimension_numbers=(((0,), (0,)), ((), ())),
                        preferred_element_type=jnp.float32)
    g = jnp.dot(oh, w_ref[7:, :], preferred_element_type=jnp.float32)
    out_ref[...] = h + g


def _tc_fused(c0, c1, xt, w_cat):
    return pl.pallas_call(
        _tc_body,
        grid=(NB,),
        in_specs=[
            pl.BlockSpec((1, 1, BN), lambda i: (i, 0, 0)),
            pl.BlockSpec((1, 1, BN), lambda i: (i, 0, 0)),
            pl.BlockSpec((7, BN), lambda i: (0, i)),
            pl.BlockSpec((7 + DPAD, H), lambda i: (0, 0)),
        ],
        out_specs=pl.BlockSpec((BN, H), lambda i: (i, 0)),
        out_shape=jax.ShapeDtypeStruct((N, H), jnp.float32),
        compiler_params=pltpu.CompilerParams(
            dimension_semantics=("parallel",),
        ),
    )(c0, c1, xt, w_cat)


@jax.jit
def kernel(x, edge_idx, W_feat, b_feat, degree_table):
    edges_p = jnp.pad(edge_idx.reshape(-1), (0, NW * EPW_PAD - E2),
                      constant_values=DUMP).reshape(NW, RPT, ROW)
    w_cat = jnp.zeros((7 + DPAD, H), jnp.float32)
    w_cat = w_cat.at[:7].set(W_feat).at[7:17].set(degree_table + b_feat)

    edges_p, x_held = lax.optimization_barrier((edges_p, x))
    c0, c1 = _sc_bincount(edges_p)
    c0 = c0.reshape(NB, 1, BN)
    c1 = c1.reshape(NB, 1, BN)

    return _tc_fused(c0, c1, x_held.T, w_cat)

# --- scband reference (transcript-rebuilt; emitter-appended) ---
"""Pipeline reference for scband-centrality-encoding-17935783428480 (READ-ONLY COPY).

The authoritative reference and input builder live on the scoring server;
editing this copy changes nothing except your own understanding.
"""

import jax, jax.numpy as jnp
import numpy as np

N = 100000
E = 200000
H = 128

def setup_inputs(seed: int = 0) -> dict:
    key = jax.random.key(seed)
    k1, k2, k3, k4 = jax.random.split(key, 4)
    x = jax.random.normal(k1, (N, 7), dtype=jnp.float32)
    edge_idx = jax.random.randint(k2, (2, E), 0, N, dtype=jnp.int32)
    W_feat = jax.random.normal(k3, (7, H), dtype=jnp.float32) * (1.0 / np.sqrt(7.0))
    b_feat = jnp.zeros((H,), dtype=jnp.float32)
    degree_table = jax.random.normal(k4, (10, H), dtype=jnp.float32) * 0.02
    return {"x": x, "edge_idx": edge_idx, "W_feat": W_feat, "b_feat": b_feat, "degree_table": degree_table}

def reference(x, edge_idx, W_feat, b_feat, degree_table):
    # x = self.feature_encoder(x)
    h = jnp.dot(x, W_feat) + b_feat
    # degree(edge_idx.view(-1), num_nodes=x.shape[0])  -> bincount of flattened endpoints
    deg = jnp.bincount(edge_idx.reshape(-1), length=x.shape[0])
    # .int() // 2
    d = deg.astype(jnp.int32) // 2
    # self.degree_encoder(x_degree)  -> embedding gather
    x_degree = jnp.take(degree_table, d, axis=0)
    return h + x_degree

if __name__ == "__main__":
    import jax
    _d = setup_inputs()
    print(jax.jit(kernel)(*tuple(_d.values())))

</pallas_src>

<mosaic_0001>
#map = affine_map<(d0, d1) -> (0, 0, 0)>
#map1 = affine_map<(d0, d1) -> (0)>
module attributes {stable_mosaic.version = 14 : i64} {
  func.func @_sc_body(%arg0: i32, %arg1: i32, %arg2: memref<32x98x128xi32, #tpu.memory_space<hbm>>, %arg3: memref<100352xi32, #tpu.memory_space<hbm>>, %arg4: memref<100352xi32, #tpu.memory_space<hbm>>, %arg5: memref<98x128xi32, #tpu.memory_space<vmem>>, %arg6: memref<128xi32, #tpu.memory_space<vmem>>, %arg7: memref<6272xi32, #tpu.memory_space<vmem>>, %arg8: memref<100352xi32, #tpu.memory_space<vmem_shared>>, %arg9: memref<!tpu.dma_semaphore, #tpu.memory_space<semaphore_mem>>) attributes {dimension_semantics = [#tpu.dimension_semantics<core_parallel>, #tpu.dimension_semantics<subcore_parallel>], iteration_bounds = array<i64: 2, 16>, scalar_prefetch = 0 : i64, scratch_operands = 5 : i64, tpu.core_type = #tpu.core_type<sc_vector_subcore>, window_params = [{transform_indices = #map}, {transform_indices = #map1}, {transform_indices = #map1}]} {
    %mul3A = arith.constant 16 : i32
    %mul3A_0 = arith.muli %arg0, %mul3A : i32
    %add3A = arith.addi %mul3A_0, %arg1 : i32
    "tpu.region"() ({
      %run_scoped3A = tpu.sem_alloc : memref<!tpu.dma_semaphore, #tpu.memory_space<semaphore_mem>>
      %dma_start3A = arith.constant 0 : i32
      %dma_start3A_28 = arith.constant 0 : i32
      %dma_start3A_29 = tpu.memref_slice %arg2[%add3A, %dma_start3A, %dma_start3A_28] : memref<32x98x128xi32, #tpu.memory_space<hbm>> -> memref<1x98x128xi32, #tpu.memory_space<hbm>>
      %dma_start3A_30 = tpu.memref_squeeze %dma_start3A_29 : memref<1x98x128xi32, #tpu.memory_space<hbm>> -> memref<98x128xi32, #tpu.memory_space<hbm>>
      %dma_start3A_31 = arith.constant 0 : i32
      %dma_start3A_32 = arith.constant 0 : i32
      %dma_start3A_33 = tpu.memref_slice %arg2[%add3A, %dma_start3A_31, %dma_start3A_32] : memref<32x98x128xi32, #tpu.memory_space<hbm>> -> memref<1x98x128xi32, #tpu.memory_space<hbm>>
      %dma_start3A_34 = tpu.memref_squeeze %dma_start3A_33 : memref<1x98x128xi32, #tpu.memory_space<hbm>> -> memref<98x128xi32, #tpu.memory_space<hbm>>
      tpu.enqueue_dma source(%dma_start3A_34 : memref<98x128xi32, #tpu.memory_space<hbm>>) target(%arg5 : memref<98x128xi32, #tpu.memory_space<vmem>>) target_semaphore(%run_scoped3A : memref<!tpu.dma_semaphore, #tpu.memory_space<semaphore_mem>>)
      %dma_wait3A = arith.constant 0 : i32
      %dma_wait3A_35 = arith.constant 0 : i32
      %dma_wait3A_36 = tpu.memref_slice %arg2[%add3A, %dma_wait3A, %dma_wait3A_35] : memref<32x98x128xi32, #tpu.memory_space<hbm>> -> memref<1x98x128xi32, #tpu.memory_space<hbm>>
      %dma_wait3A_37 = tpu.memref_squeeze %dma_wait3A_36 : memref<1x98x128xi32, #tpu.memory_space<hbm>> -> memref<98x128xi32, #tpu.memory_space<hbm>>
      %dma_wait3A_38 = arith.constant 0 : i32
      %dma_wait3A_39 = arith.constant 0 : i32
      %dma_wait3A_40 = tpu.memref_slice %arg2[%add3A, %dma_wait3A_38, %dma_wait3A_39] : memref<32x98x128xi32, #tpu.memory_space<hbm>> -> memref<1x98x128xi32, #tpu.memory_space<hbm>>
      %dma_wait3A_41 = tpu.memref_squeeze %dma_wait3A_40 : memref<1x98x128xi32, #tpu.memory_space<hbm>> -> memref<98x128xi32, #tpu.memory_space<hbm>>
      tpu.wait_dma2 semaphore(%run_scoped3A : memref<!tpu.dma_semaphore, #tpu.memory_space<semaphore_mem>>) src(%dma_wait3A_41 : memref<98x128xi32, #tpu.memory_space<hbm>>) dst(%arg5 : memref<98x128xi32, #tpu.memory_space<vmem>>)
      tpu.yield
    }) : () -> ()
    %scan3A = arith.constant 0 : i32
    %scan3A_1 = arith.constant 0 : i32
    %scan3A_2 = arith.constant 8 : i32
    %scan3A_3 = arith.addi %scan3A_1, %scan3A_2 : i32
    %scan3A_4 = arith.constant 1 : i32
    scf.for %scan3A_28 = %scan3A_1 to %scan3A_3 step %scan3A_4  : i32 {
      %broadcast_in_dim3A = arith.constant 1 : i32
      %broadcast_in_dim3A_29 = vector.broadcast %broadcast_in_dim3A : i32 to vector<16xi32>
      %mul3A_30 = arith.constant 16 : i32
      %mul3A_31 = arith.muli %scan3A_28, %mul3A_30 : i32
      %swap3A = arith.index_cast %mul3A_31 : i32 to index
      %swap3A_32 = tpu.vector_load %arg6[%swap3A] {strides = array<i32>} : memref<128xi32, #tpu.memory_space<vmem>>, vector<16xi32>,
      %swap3A_33 = vector.shape_cast %swap3A_32 : vector<16xi32> to vector<16xi32>
      %swap3A_34 = vector.shape_cast %broadcast_in_dim3A_29 : vector<16xi32> to vector<16xi32>
      tpu.vector_store %arg6[%swap3A], %swap3A_34 {strides = array<i32>} : memref<128xi32, #tpu.memory_space<vmem>>, vector<16xi32>,
    }
    %scan3A_5 = arith.constant 8 : i32
    %scan3A_6 = arith.constant 0 : i32
    %scan3A_7 = arith.constant 0 : i32
    %scan3A_8 = arith.constant 392 : i32
    %scan3A_9 = arith.addi %scan3A_7, %scan3A_8 : i32
    %scan3A_10 = arith.constant 1 : i32
    scf.for %scan3A_28 = %scan3A_7 to %scan3A_9 step %scan3A_10  : i32 {
      %broadcast_in_dim3A = arith.constant 0 : i32
      %broadcast_in_dim3A_29 = vector.broadcast %broadcast_in_dim3A : i32 to vector<16xi32>
      %mul3A_30 = arith.constant 16 : i32
      %mul3A_31 = arith.muli %scan3A_28, %mul3A_30 : i32
      %swap3A = arith.index_cast %mul3A_31 : i32 to index
      %swap3A_32 = tpu.vector_load %arg7[%swap3A] {strides = array<i32>} : memref<6272xi32, #tpu.memory_space<vmem>>, vector<16xi32>,
      %swap3A_33 = vector.shape_cast %swap3A_32 : vector<16xi32> to vector<16xi32>
      %swap3A_34 = vector.shape_cast %broadcast_in_dim3A_29 : vector<16xi32> to vector<16xi32>
      tpu.vector_store %arg7[%swap3A], %swap3A_34 {strides = array<i32>} : memref<6272xi32, #tpu.memory_space<vmem>>, vector<16xi32>,
    }
    %scan3A_11 = arith.constant 392 : i32
    %mul3A_12 = arith.constant 6272 : i32
    %mul3A_13 = arith.muli %arg1, %mul3A_12 : i32
    "tpu.region"() ({
      %run_scoped3A = tpu.sem_alloc : memref<!tpu.dma_semaphore, #tpu.memory_space<semaphore_mem>>
      %dma_start3A = tpu.memref_slice %arg8[%mul3A_13] : memref<100352xi32, #tpu.memory_space<vmem_shared>> -> memref<6272xi32, #tpu.memory_space<vmem_shared>>
      %dma_start3A_28 = tpu.memref_slice %arg8[%mul3A_13] : memref<100352xi32, #tpu.memory_space<vmem_shared>> -> memref<6272xi32, #tpu.memory_space<vmem_shared>>
      tpu.enqueue_dma source(%arg7 : memref<6272xi32, #tpu.memory_space<vmem>>) target(%dma_start3A_28 : memref<6272xi32, #tpu.memory_space<vmem_shared>>) target_semaphore(%run_scoped3A : memref<!tpu.dma_semaphore, #tpu.memory_space<semaphore_mem>>)
      %dma_wait3A = tpu.memref_slice %arg8[%mul3A_13] : memref<100352xi32, #tpu.memory_space<vmem_shared>> -> memref<6272xi32, #tpu.memory_space<vmem_shared>>
      %dma_wait3A_29 = tpu.memref_slice %arg8[%mul3A_13] : memref<100352xi32, #tpu.memory_space<vmem_shared>> -> memref<6272xi32, #tpu.memory_space<vmem_shared>>
      tpu.wait_dma2 semaphore(%run_scoped3A : memref<!tpu.dma_semaphore, #tpu.memory_space<semaphore_mem>>) src(%arg7 : memref<6272xi32, #tpu.memory_space<vmem>>) dst(%dma_wait3A_29 : memref<6272xi32, #tpu.memory_space<vmem_shared>>)
      tpu.yield
    }) : () -> ()
    %barrier3A = arith.constant 0 : index
    tpu.barrier barrier_id(%barrier3A)
    %scan3A_14 = arith.constant 0 : i32
    %scan3A_15 = arith.constant 0 : i32
    %scan3A_16 = arith.constant 7 : i32
    %scan3A_17 = arith.addi %scan3A_15, %scan3A_16 : i32
    %scan3A_18 = arith.constant 1 : i32
    scf.for %scan3A_28 = %scan3A_15 to %scan3A_17 step %scan3A_18  : i32 {
      %mul3A_29 = arith.constant 14 : i32
      %mul3A_30 = arith.muli %scan3A_28, %mul3A_29 : i32
      %add3A_31 = arith.constant 0 : i32
      %add3A_32 = arith.addi %mul3A_30, %add3A_31 : i32
      %dma_start3A = arith.constant 0 : i32
      %dma_start3A_33 = tpu.memref_slice %arg5[%add3A_32, %dma_start3A] : memref<98x128xi32, #tpu.memory_space<vmem>> -> memref<1x128xi32, #tpu.memory_space<vmem>>
      %dma_start3A_34 = tpu.memref_squeeze %dma_start3A_33 : memref<1x128xi32, #tpu.memory_space<vmem>> -> memref<128xi32, #tpu.memory_space<vmem>>
      %dma_start3A_35 = arith.constant 0 : i32
      %dma_start3A_36 = tpu.memref_slice %arg8[%dma_start3A_35] : memref<100352xi32, #tpu.memory_space<vmem_shared>> -> memref<100352xi32, #tpu.memory_space<vmem_shared>>
      tpu.enqueue_indirect_dma source(%arg6 : memref<128xi32, #tpu.memory_space<vmem>>) target(%dma_start3A_36 : memref<100352xi32, #tpu.memory_space<vmem_shared>>) offsets(%dma_start3A_34 : memref<128xi32, #tpu.memory_space<vmem>>) semaphore(%arg9 : memref<!tpu.dma_semaphore, #tpu.memory_space<semaphore_mem>>) {add = true}
      %mul3A_37 = arith.constant 14 : i32
      %mul3A_38 = arith.muli %scan3A_28, %mul3A_37 : i32
      %add3A_39 = arith.constant 1 : i32
      %add3A_40 = arith.addi %mul3A_38, %add3A_39 : i32
      %dma_start3A_41 = arith.constant 0 : i32
      %dma_start3A_42 = tpu.memref_slice %arg5[%add3A_40, %dma_start3A_41] : memref<98x128xi32, #tpu.memory_space<vmem>> -> memref<1x128xi32, #tpu.memory_space<vmem>>
      %dma_start3A_43 = tpu.memref_squeeze %dma_start3A_42 : memref<1x128xi32, #tpu.memory_space<vmem>> -> memref<128xi32, #tpu.memory_space<vmem>>
      %dma_start3A_44 = arith.constant 0 : i32
      %dma_start3A_45 = tpu.memref_slice %arg8[%dma_start3A_44] : memref<100352xi32, #tpu.memory_space<vmem_shared>> -> memref<100352xi32, #tpu.memory_space<vmem_shared>>
      tpu.enqueue_indirect_dma source(%arg6 : memref<128xi32, #tpu.memory_space<vmem>>) target(%dma_start3A_45 : memref<100352xi32, #tpu.memory_space<vmem_shared>>) offsets(%dma_start3A_43 : memref<128xi32, #tpu.memory_space<vmem>>) semaphore(%arg9 : memref<!tpu.dma_semaphore, #tpu.memory_space<semaphore_mem>>) {add = true}
      %mul3A_46 = arith.constant 14 : i32
      %mul3A_47 = arith.muli %scan3A_28, %mul3A_46 : i32
      %add3A_48 = arith.constant 2 : i32
      %add3A_49 = arith.addi %mul3A_47, %add3A_48 : i32
      %dma_start3A_50 = arith.constant 0 : i32
      %dma_start3A_51 = tpu.memref_slice %arg5[%add3A_49, %dma_start3A_50] : memref<98x128xi32, #tpu.memory_space<vmem>> -> memref<1x128xi32, #tpu.memory_space<vmem>>
      %dma_start3A_52 = tpu.memref_squeeze %dma_start3A_51 : memref<1x128xi32, #tpu.memory_space<vmem>> -> memref<128xi32, #tpu.memory_space<vmem>>
      %dma_start3A_53 = arith.constant 0 : i32
      %dma_start3A_54 = tpu.memref_slice %arg8[%dma_start3A_53] : memref<100352xi32, #tpu.memory_space<vmem_shared>> -> memref<100352xi32, #tpu.memory_space<vmem_shared>>
      tpu.enqueue_indirect_dma source(%arg6 : memref<128xi32, #tpu.memory_space<vmem>>) target(%dma_start3A_54 : memref<100352xi32, #tpu.memory_space<vmem_shared>>) offsets(%dma_start3A_52 : memref<128xi32, #tpu.memory_space<vmem>>) semaphore(%arg9 : memref<!tpu.dma_semaphore, #tpu.memory_space<semaphore_mem>>) {add = true}
      %mul3A_55 = arith.constant 14 : i32
      %mul3A_56 = arith.muli %scan3A_28, %mul3A_55 : i32
      %add3A_57 = arith.constant 3 : i32
      %add3A_58 = arith.addi %mul3A_56, %add3A_57 : i32
      %dma_start3A_59 = arith.constant 0 : i32
      %dma_start3A_60 = tpu.memref_slice %arg5[%add3A_58, %dma_start3A_59] : memref<98x128xi32, #tpu.memory_space<vmem>> -> memref<1x128xi32, #tpu.memory_space<vmem>>
      %dma_start3A_61 = tpu.memref_squeeze %dma_start3A_60 : memref<1x128xi32, #tpu.memory_space<vmem>> -> memref<128xi32, #tpu.memory_space<vmem>>
      %dma_start3A_62 = arith.constant 0 : i32
      %dma_start3A_63 = tpu.memref_slice %arg8[%dma_start3A_62] : memref<100352xi32, #tpu.memory_space<vmem_shared>> -> memref<100352xi32, #tpu.memory_space<vmem_shared>>
      tpu.enqueue_indirect_dma source(%arg6 : memref<128xi32, #tpu.memory_space<vmem>>) target(%dma_start3A_63 : memref<100352xi32, #tpu.memory_space<vmem_shared>>) offsets(%dma_start3A_61 : memref<128xi32, #tpu.memory_space<vmem>>) semaphore(%arg9 : memref<!tpu.dma_semaphore, #tpu.memory_space<semaphore_mem>>) {add = true}
      %mul3A_64 = arith.constant 14 : i32
      %mul3A_65 = arith.muli %scan3A_28, %mul3A_64 : i32
      %add3A_66 = arith.constant 4 : i32
      %add3A_67 = arith.addi %mul3A_65, %add3A_66 : i32
      %dma_start3A_68 = arith.constant 0 : i32
      %dma_start3A_69 = tpu.memref_slice %arg5[%add3A_67, %dma_start3A_68] : memref<98x128xi32, #tpu.memory_space<vmem>> -> memref<1x128xi32, #tpu.memory_space<vmem>>
      %dma_start3A_70 = tpu.memref_squeeze %dma_start3A_69 : memref<1x128xi32, #tpu.memory_space<vmem>> -> memref<128xi32, #tpu.memory_space<vmem>>
      %dma_start3A_71 = arith.constant 0 : i32
      %dma_start3A_72 = tpu.memref_slice %arg8[%dma_start3A_71] : memref<100352xi32, #tpu.memory_space<vmem_shared>> -> memref<100352xi32, #tpu.memory_space<vmem_shared>>
      tpu.enqueue_indirect_dma source(%arg6 : memref<128xi32, #tpu.memory_space<vmem>>) target(%dma_start3A_72 : memref<100352xi32, #tpu.memory_space<vmem_shared>>) offsets(%dma_start3A_70 : memref<128xi32, #tpu.memory_space<vmem>>) semaphore(%arg9 : memref<!tpu.dma_semaphore, #tpu.memory_space<semaphore_mem>>) {add = true}
      %mul3A_73 = arith.constant 14 : i32
      %mul3A_74 = arith.muli %scan3A_28, %mul3A_73 : i32
      %add3A_75 = arith.constant 5 : i32
      %add3A_76 = arith.addi %mul3A_74, %add3A_75 : i32
      %dma_start3A_77 = arith.constant 0 : i32
      %dma_start3A_78 = tpu.memref_slice %arg5[%add3A_76, %dma_start3A_77] : memref<98x128xi32, #tpu.memory_space<vmem>> -> memref<1x128xi32, #tpu.memory_space<vmem>>
      %dma_start3A_79 = tpu.memref_squeeze %dma_start3A_78 : memref<1x128xi32, #tpu.memory_space<vmem>> -> memref<128xi32, #tpu.memory_space<vmem>>
      %dma_start3A_80 = arith.constant 0 : i32
      %dma_start3A_81 = tpu.memref_slice %arg8[%dma_start3A_80] : memref<100352xi32, #tpu.memory_space<vmem_shared>> -> memref<100352xi32, #tpu.memory_space<vmem_shared>>
      tpu.enqueue_indirect_dma source(%arg6 : memref<128xi32, #tpu.memory_space<vmem>>) target(%dma_start3A_81 : memref<100352xi32, #tpu.memory_space<vmem_shared>>) offsets(%dma_start3A_79 : memref<128xi32, #tpu.memory_space<vmem>>) semaphore(%arg9 : memref<!tpu.dma_semaphore, #tpu.memory_space<semaphore_mem>>) {add = true}
      %mul3A_82 = arith.constant 14 : i32
      %mul3A_83 = arith.muli %scan3A_28, %mul3A_82 : i32
      %add3A_84 = arith.constant 6 : i32
      %add3A_85 = arith.addi %mul3A_83, %add3A_84 : i32
      %dma_start3A_86 = arith.constant 0 : i32
      %dma_start3A_87 = tpu.memref_slice %arg5[%add3A_85, %dma_start3A_86] : memref<98x128xi32, #tpu.memory_space<vmem>> -> memref<1x128xi32, #tpu.memory_space<vmem>>
      %dma_start3A_88 = tpu.memref_squeeze %dma_start3A_87 : memref<1x128xi32, #tpu.memory_space<vmem>> -> memref<128xi32, #tpu.memory_space<vmem>>
      %dma_start3A_89 = arith.constant 0 : i32
      %dma_start3A_90 = tpu.memref_slice %arg8[%dma_start3A_89] : memref<100352xi32, #tpu.memory_space<vmem_shared>> -> memref<100352xi32, #tpu.memory_space<vmem_shared>>
      tpu.enqueue_indirect_dma source(%arg6 : memref<128xi32, #tpu.memory_space<vmem>>) target(%dma_start3A_90 : memref<100352xi32, #tpu.memory_space<vmem_shared>>) offsets(%dma_start3A_88 : memref<128xi32, #tpu.memory_space<vmem>>) semaphore(%arg9 : memref<!tpu.dma_semaphore, #tpu.memory_space<semaphore_mem>>) {add = true}
      %mul3A_91 = arith.constant 14 : i32
      %mul3A_92 = arith.muli %scan3A_28, %mul3A_91 : i32
      %add3A_93 = arith.constant 7 : i32
      %add3A_94 = arith.addi %mul3A_92, %add3A_93 : i32
      %dma_start3A_95 = arith.constant 0 : i32
      %dma_start3A_96 = tpu.memref_slice %arg5[%add3A_94, %dma_start3A_95] : memref<98x128xi32, #tpu.memory_space<vmem>> -> memref<1x128xi32, #tpu.memory_space<vmem>>
      %dma_start3A_97 = tpu.memref_squeeze %dma_start3A_96 : memref<1x128xi32, #tpu.memory_space<vmem>> -> memref<128xi32, #tpu.memory_space<vmem>>
      %dma_start3A_98 = arith.constant 0 : i32
      %dma_start3A_99 = tpu.memref_slice %arg8[%dma_start3A_98] : memref<100352xi32, #tpu.memory_space<vmem_shared>> -> memref<100352xi32, #tpu.memory_space<vmem_shared>>
      tpu.enqueue_indirect_dma source(%arg6 : memref<128xi32, #tpu.memory_space<vmem>>) target(%dma_start3A_99 : memref<100352xi32, #tpu.memory_space<vmem_shared>>) offsets(%dma_start3A_97 : memref<128xi32, #tpu.memory_space<vmem>>) semaphore(%arg9 : memref<!tpu.dma_semaphore, #tpu.memory_space<semaphore_mem>>) {add = true}
      %mul3A_100 = arith.constant 14 : i32
      %mul3A_101 = arith.muli %scan3A_28, %mul3A_100 : i32
      %add3A_102 = arith.constant 8 : i32
      %add3A_103 = arith.addi %mul3A_101, %add3A_102 : i32
      %dma_start3A_104 = arith.constant 0 : i32
      %dma_start3A_105 = tpu.memref_slice %arg5[%add3A_103, %dma_start3A_104] : memref<98x128xi32, #tpu.memory_space<vmem>> -> memref<1x128xi32, #tpu.memory_space<vmem>>
      %dma_start3A_106 = tpu.memref_squeeze %dma_start3A_105 : memref<1x128xi32, #tpu.memory_space<vmem>> -> memref<128xi32, #tpu.memory_space<vmem>>
      %dma_start3A_107 = arith.constant 0 : i32
      %dma_start3A_108 = tpu.memref_slice %arg8[%dma_start3A_107] : memref<100352xi32, #tpu.memory_space<vmem_shared>> -> memref<100352xi32, #tpu.memory_space<vmem_shared>>
      tpu.enqueue_indirect_dma source(%arg6 : memref<128xi32, #tpu.memory_space<vmem>>) target(%dma_start3A_108 : memref<100352xi32, #tpu.memory_space<vmem_shared>>) offsets(%dma_start3A_106 : memref<128xi32, #tpu.memory_space<vmem>>) semaphore(%arg9 : memref<!tpu.dma_semaphore, #tpu.memory_space<semaphore_mem>>) {add = true}
      %mul3A_109 = arith.constant 14 : i32
      %mul3A_110 = arith.muli %scan3A_28, %mul3A_109 : i32
      %add3A_111 = arith.constant 9 : i32
      %add3A_112 = arith.addi %mul3A_110, %add3A_111 : i32
      %dma_start3A_113 = arith.constant 0 : i32
      %dma_start3A_114 = tpu.memref_slice %arg5[%add3A_112, %dma_start3A_113] : memref<98x128xi32, #tpu.memory_space<vmem>> -> memref<1x128xi32, #tpu.memory_space<vmem>>
      %dma_start3A_115 = tpu.memref_squeeze %dma_start3A_114 : memref<1x128xi32, #tpu.memory_space<vmem>> -> memref<128xi32, #tpu.memory_space<vmem>>
      %dma_start3A_116 = arith.constant 0 : i32
      %dma_start3A_117 = tpu.memref_slice %arg8[%dma_start3A_116] : memref<100352xi32, #tpu.memory_space<vmem_shared>> -> memref<100352xi32, #tpu.memory_space<vmem_shared>>
      tpu.enqueue_indirect_dma source(%arg6 : memref<128xi32, #tpu.memory_space<vmem>>) target(%dma_start3A_117 : memref<100352xi32, #tpu.memory_space<vmem_shared>>) offsets(%dma_start3A_115 : memref<128xi32, #tpu.memory_space<vmem>>) semaphore(%arg9 : memref<!tpu.dma_semaphore, #tpu.memory_space<semaphore_mem>>) {add = true}
      %mul3A_118 = arith.constant 14 : i32
      %mul3A_119 = arith.muli %scan3A_28, %mul3A_118 : i32
      %add3A_120 = arith.constant 10 : i32
      %add3A_121 = arith.addi %mul3A_119, %add3A_120 : i32
      %dma_start3A_122 = arith.constant 0 : i32
      %dma_start3A_123 = tpu.memref_slice %arg5[%add3A_121, %dma_start3A_122] : memref<98x128xi32, #tpu.memory_space<vmem>> -> memref<1x128xi32, #tpu.memory_space<vmem>>
      %dma_start3A_124 = tpu.memref_squeeze %dma_start3A_123 : memref<1x128xi32, #tpu.memory_space<vmem>> -> memref<128xi32, #tpu.memory_space<vmem>>
      %dma_start3A_125 = arith.constant 0 : i32
      %dma_start3A_126 = tpu.memref_slice %arg8[%dma_start3A_125] : memref<100352xi32, #tpu.memory_space<vmem_shared>> -> memref<100352xi32, #tpu.memory_space<vmem_shared>>
      tpu.enqueue_indirect_dma source(%arg6 : memref<128xi32, #tpu.memory_space<vmem>>) target(%dma_start3A_126 : memref<100352xi32, #tpu.memory_space<vmem_shared>>) offsets(%dma_start3A_124 : memref<128xi32, #tpu.memory_space<vmem>>) semaphore(%arg9 : memref<!tpu.dma_semaphore, #tpu.memory_space<semaphore_mem>>) {add = true}
      %mul3A_127 = arith.constant 14 : i32
      %mul3A_128 = arith.muli %scan3A_28, %mul3A_127 : i32
      %add3A_129 = arith.constant 11 : i32
      %add3A_130 = arith.addi %mul3A_128, %add3A_129 : i32
      %dma_start3A_131 = arith.constant 0 : i32
      %dma_start3A_132 = tpu.memref_slice %arg5[%add3A_130, %dma_start3A_131] : memref<98x128xi32, #tpu.memory_space<vmem>> -> memref<1x128xi32, #tpu.memory_space<vmem>>
      %dma_start3A_133 = tpu.memref_squeeze %dma_start3A_132 : memref<1x128xi32, #tpu.memory_space<vmem>> -> memref<128xi32, #tpu.memory_space<vmem>>
      %dma_start3A_134 = arith.constant 0 : i32
      %dma_start3A_135 = tpu.memref_slice %arg8[%dma_start3A_134] : memref<100352xi32, #tpu.memory_space<vmem_shared>> -> memref<100352xi32, #tpu.memory_space<vmem_shared>>
      tpu.enqueue_indirect_dma source(%arg6 : memref<128xi32, #tpu.memory_space<vmem>>) target(%dma_start3A_135 : memref<100352xi32, #tpu.memory_space<vmem_shared>>) offsets(%dma_start3A_133 : memref<128xi32, #tpu.memory_space<vmem>>) semaphore(%arg9 : memref<!tpu.dma_semaphore, #tpu.memory_space<semaphore_mem>>) {add = true}
      %mul3A_136 = arith.constant 14 : i32
      %mul3A_137 = arith.muli %scan3A_28, %mul3A_136 : i32
      %add3A_138 = arith.constant 12 : i32
      %add3A_139 = arith.addi %mul3A_137, %add3A_138 : i32
      %dma_start3A_140 = arith.constant 0 : i32
      %dma_start3A_141 = tpu.memref_slice %arg5[%add3A_139, %dma_start3A_140] : memref<98x128xi32, #tpu.memory_space<vmem>> -> memref<1x128xi32, #tpu.memory_space<vmem>>
      %dma_start3A_142 = tpu.memref_squeeze %dma_start3A_141 : memref<1x128xi32, #tpu.memory_space<vmem>> -> memref<128xi32, #tpu.memory_space<vmem>>
      %dma_start3A_143 = arith.constant 0 : i32
      %dma_start3A_144 = tpu.memref_slice %arg8[%dma_start3A_143] : memref<100352xi32, #tpu.memory_space<vmem_shared>> -> memref<100352xi32, #tpu.memory_space<vmem_shared>>
      tpu.enqueue_indirect_dma source(%arg6 : memref<128xi32, #tpu.memory_space<vmem>>) target(%dma_start3A_144 : memref<100352xi32, #tpu.memory_space<vmem_shared>>) offsets(%dma_start3A_142 : memref<128xi32, #tpu.memory_space<vmem>>) semaphore(%arg9 : memref<!tpu.dma_semaphore, #tpu.memory_space<semaphore_mem>>) {add = true}
      %mul3A_145 = arith.constant 14 : i32
      %mul3A_146 = arith.muli %scan3A_28, %mul3A_145 : i32
      %add3A_147 = arith.constant 13 : i32
      %add3A_148 = arith.addi %mul3A_146, %add3A_147 : i32
      %dma_start3A_149 = arith.constant 0 : i32
      %dma_start3A_150 = tpu.memref_slice %arg5[%add3A_148, %dma_start3A_149] : memref<98x128xi32, #tpu.memory_space<vmem>> -> memref<1x128xi32, #tpu.memory_space<vmem>>
      %dma_start3A_151 = tpu.memref_squeeze %dma_start3A_150 : memref<1x128xi32, #tpu.memory_space<vmem>> -> memref<128xi32, #tpu.memory_space<vmem>>
      %dma_start3A_152 = arith.constant 0 : i32
      %dma_start3A_153 = tpu.memref_slice %arg8[%dma_start3A_152] : memref<100352xi32, #tpu.memory_space<vmem_shared>> -> memref<100352xi32, #tpu.memory_space<vmem_shared>>
      tpu.enqueue_indirect_dma source(%arg6 : memref<128xi32, #tpu.memory_space<vmem>>) target(%dma_start3A_153 : memref<100352xi32, #tpu.memory_space<vmem_shared>>) offsets(%dma_start3A_151 : memref<128xi32, #tpu.memory_space<vmem>>) semaphore(%arg9 : memref<!tpu.dma_semaphore, #tpu.memory_space<semaphore_mem>>) {add = true}
      %dma_wait3A = arith.constant 0 : i32
      %dma_wait3A_154 = tpu.memref_slice %arg5[%add3A_32, %dma_wait3A] : memref<98x128xi32, #tpu.memory_space<vmem>> -> memref<1x128xi32, #tpu.memory_space<vmem>>
      %dma_wait3A_155 = tpu.memref_squeeze %dma_wait3A_154 : memref<1x128xi32, #tpu.memory_space<vmem>> -> memref<128xi32, #tpu.memory_space<vmem>>
      %dma_wait3A_156 = arith.constant 0 : i32
      %dma_wait3A_157 = tpu.memref_slice %arg8[%dma_wait3A_156] : memref<100352xi32, #tpu.memory_space<vmem_shared>> -> memref<100352xi32, #tpu.memory_space<vmem_shared>>
      tpu.wait_indirect_dma semaphore(%arg9 : memref<!tpu.dma_semaphore, #tpu.memory_space<semaphore_mem>>) src(%arg6 : memref<128xi32, #tpu.memory_space<vmem>>) dst(%dma_wait3A_157 : memref<100352xi32, #tpu.memory_space<vmem_shared>>)
      %dma_wait3A_158 = arith.constant 0 : i32
      %dma_wait3A_159 = tpu.memref_slice %arg5[%add3A_40, %dma_wait3A_158] : memref<98x128xi32, #tpu.memory_space<vmem>> -> memref<1x128xi32, #tpu.memory_space<vmem>>
      %dma_wait3A_160 = tpu.memref_squeeze %dma_wait3A_159 : memref<1x128xi32, #tpu.memory_space<vmem>> -> memref<128xi32, #tpu.memory_space<vmem>>
      %dma_wait3A_161 = arith.constant 0 : i32
      %dma_wait3A_162 = tpu.memref_slice %arg8[%dma_wait3A_161] : memref<100352xi32, #tpu.memory_space<vmem_shared>> -> memref<100352xi32, #tpu.memory_space<vmem_shared>>
      tpu.wait_indirect_dma semaphore(%arg9 : memref<!tpu.dma_semaphore, #tpu.memory_space<semaphore_mem>>) src(%arg6 : memref<128xi32, #tpu.memory_space<vmem>>) dst(%dma_wait3A_162 : memref<100352xi32, #tpu.memory_space<vmem_shared>>)
      %dma_wait3A_163 = arith.constant 0 : i32
      %dma_wait3A_164 = tpu.memref_slice %arg5[%add3A_49, %dma_wait3A_163] : memref<98x128xi32, #tpu.memory_space<vmem>> -> memref<1x128xi32, #tpu.memory_space<vmem>>
      %dma_wait3A_165 = tpu.memref_squeeze %dma_wait3A_164 : memref<1x128xi32, #tpu.memory_space<vmem>> -> memref<128xi32, #tpu.memory_space<vmem>>
      %dma_wait3A_166 = arith.constant 0 : i32
      %dma_wait3A_167 = tpu.memref_slice %arg8[%dma_wait3A_166] : memref<100352xi32, #tpu.memory_space<vmem_shared>> -> memref<100352xi32, #tpu.memory_space<vmem_shared>>
      tpu.wait_indirect_dma semaphore(%arg9 : memref<!tpu.dma_semaphore, #tpu.memory_space<semaphore_mem>>) src(%arg6 : memref<128xi32, #tpu.memory_space<vmem>>) dst(%dma_wait3A_167 : memref<100352xi32, #tpu.memory_space<vmem_shared>>)
      %dma_wait3A_168 = arith.constant 0 : i32
      %dma_wait3A_169 = tpu.memref_slice %arg5[%add3A_58, %dma_wait3A_168] : memref<98x128xi32, #tpu.memory_space<vmem>> -> memref<1x128xi32, #tpu.memory_space<vmem>>
      %dma_wait3A_170 = tpu.memref_squeeze %dma_wait3A_169 : memref<1x128xi32, #tpu.memory_space<vmem>> -> memref<128xi32, #tpu.memory_space<vmem>>
      %dma_wait3A_171 = arith.constant 0 : i32
      %dma_wait3A_172 = tpu.memref_slice %arg8[%dma_wait3A_171] : memref<100352xi32, #tpu.memory_space<vmem_shared>> -> memref<100352xi32, #tpu.memory_space<vmem_shared>>
      tpu.wait_indirect_dma semaphore(%arg9 : memref<!tpu.dma_semaphore, #tpu.memory_space<semaphore_mem>>) src(%arg6 : memref<128xi32, #tpu.memory_space<vmem>>) dst(%dma_wait3A_172 : memref<100352xi32, #tpu.memory_space<vmem_shared>>)
      %dma_wait3A_173 = arith.constant 0 : i32
      %dma_wait3A_174 = tpu.memref_slice %arg5[%add3A_67, %dma_wait3A_173] : memref<98x128xi32, #tpu.memory_space<vmem>> -> memref<1x128xi32, #tpu.memory_space<vmem>>
      %dma_wait3A_175 = tpu.memref_squeeze %dma_wait3A_174 : memref<1x128xi32, #tpu.memory_space<vmem>> -> memref<128xi32, #tpu.memory_space<vmem>>
      %dma_wait3A_176 = arith.constant 0 : i32
      %dma_wait3A_177 = tpu.memref_slice %arg8[%dma_wait3A_176] : memref<100352xi32, #tpu.memory_space<vmem_shared>> -> memref<100352xi32, #tpu.memory_space<vmem_shared>>
      tpu.wait_indirect_dma semaphore(%arg9 : memref<!tpu.dma_semaphore, #tpu.memory_space<semaphore_mem>>) src(%arg6 : memref<128xi32, #tpu.memory_space<vmem>>) dst(%dma_wait3A_177 : memref<100352xi32, #tpu.memory_space<vmem_shared>>)
      %dma_wait3A_178 = arith.constant 0 : i32
      %dma_wait3A_179 = tpu.memref_slice %arg5[%add3A_76, %dma_wait3A_178] : memref<98x128xi32, #tpu.memory_space<vmem>> -> memref<1x128xi32, #tpu.memory_space<vmem>>
      %dma_wait3A_180 = tpu.memref_squeeze %dma_wait3A_179 : memref<1x128xi32, #tpu.memory_space<vmem>> -> memref<128xi32, #tpu.memory_space<vmem>>
      %dma_wait3A_181 = arith.constant 0 : i32
      %dma_wait3A_182 = tpu.memref_slice %arg8[%dma_wait3A_181] : memref<100352xi32, #tpu.memory_space<vmem_shared>> -> memref<100352xi32, #tpu.memory_space<vmem_shared>>
      tpu.wait_indirect_dma semaphore(%arg9 : memref<!tpu.dma_semaphore, #tpu.memory_space<semaphore_mem>>) src(%arg6 : memref<128xi32, #tpu.memory_space<vmem>>) dst(%dma_wait3A_182 : memref<100352xi32, #tpu.memory_space<vmem_shared>>)
      %dma_wait3A_183 = arith.constant 0 : i32
      %dma_wait3A_184 = tpu.memref_slice %arg5[%add3A_85, %dma_wait3A_183] : memref<98x128xi32, #tpu.memory_space<vmem>> -> memref<1x128xi32, #tpu.memory_space<vmem>>
      %dma_wait3A_185 = tpu.memref_squeeze %dma_wait3A_184 : memref<1x128xi32, #tpu.memory_space<vmem>> -> memref<128xi32, #tpu.memory_space<vmem>>
      %dma_wait3A_186 = arith.constant 0 : i32
      %dma_wait3A_187 = tpu.memref_slice %arg8[%dma_wait3A_186] : memref<100352xi32, #tpu.memory_space<vmem_shared>> -> memref<100352xi32, #tpu.memory_space<vmem_shared>>
      tpu.wait_indirect_dma semaphore(%arg9 : memref<!tpu.dma_semaphore, #tpu.memory_space<semaphore_mem>>) src(%arg6 : memref<128xi32, #tpu.memory_space<vmem>>) dst(%dma_wait3A_187 : memref<100352xi32, #tpu.memory_space<vmem_shared>>)
      %dma_wait3A_188 = arith.constant 0 : i32
      %dma_wait3A_189 = tpu.memref_slice %arg5[%add3A_94, %dma_wait3A_188] : memref<98x128xi32, #tpu.memory_space<vmem>> -> memref<1x128xi32, #tpu.memory_space<vmem>>
      %dma_wait3A_190 = tpu.memref_squeeze %dma_wait3A_189 : memref<1x128xi32, #tpu.memory_space<vmem>> -> memref<128xi32, #tpu.memory_space<vmem>>
      %dma_wait3A_191 = arith.constant 0 : i32
      %dma_wait3A_192 = tpu.memref_slice %arg8[%dma_wait3A_191] : memref<100352xi32, #tpu.memory_space<vmem_shared>> -> memref<100352xi32, #tpu.memory_space<vmem_shared>>
      tpu.wait_indirect_dma semaphore(%arg9 : memref<!tpu.dma_semaphore, #tpu.memory_space<semaphore_mem>>) src(%arg6 : memref<128xi32, #tpu.memory_space<vmem>>) dst(%dma_wait3A_192 : memref<100352xi32, #tpu.memory_space<vmem_shared>>)
      %dma_wait3A_193 = arith.constant 0 : i32
      %dma_wait3A_194 = tpu.memref_slice %arg5[%add3A_103, %dma_wait3A_193] : memref<98x128xi32, #tpu.memory_space<vmem>> -> memref<1x128xi32, #tpu.memory_space<vmem>>
      %dma_wait3A_195 = tpu.memref_squeeze %dma_wait3A_194 : memref<1x128xi32, #tpu.memory_space<vmem>> -> memref<128xi32, #tpu.memory_space<vmem>>
      %dma_wait3A_196 = arith.constant 0 : i32
      %dma_wait3A_197 = tpu.memref_slice %arg8[%dma_wait3A_196] : memref<100352xi32, #tpu.memory_space<vmem_shared>> -> memref<100352xi32, #tpu.memory_space<vmem_shared>>
      tpu.wait_indirect_dma semaphore(%arg9 : memref<!tpu.dma_semaphore, #tpu.memory_space<semaphore_mem>>) src(%arg6 : memref<128xi32, #tpu.memory_space<vmem>>) dst(%dma_wait3A_197 : memref<100352xi32, #tpu.memory_space<vmem_shared>>)
      %dma_wait3A_198 = arith.constant 0 : i32
      %dma_wait3A_199 = tpu.memref_slice %arg5[%add3A_112, %dma_wait3A_198] : memref<98x128xi32, #tpu.memory_space<vmem>> -> memref<1x128xi32, #tpu.memory_space<vmem>>
      %dma_wait3A_200 = tpu.memref_squeeze %dma_wait3A_199 : memref<1x128xi32, #tpu.memory_space<vmem>> -> memref<128xi32, #tpu.memory_space<vmem>>
      %dma_wait3A_201 = arith.constant 0 : i32
      %dma_wait3A_202 = tpu.memref_slice %arg8[%dma_wait3A_201] : memref<100352xi32, #tpu.memory_space<vmem_shared>> -> memref<100352xi32, #tpu.memory_space<vmem_shared>>
      tpu.wait_indirect_dma semaphore(%arg9 : memref<!tpu.dma_semaphore, #tpu.memory_space<semaphore_mem>>) src(%arg6 : memref<128xi32, #tpu.memory_space<vmem>>) dst(%dma_wait3A_202 : memref<100352xi32, #tpu.memory_space<vmem_shared>>)
      %dma_wait3A_203 = arith.constant 0 : i32
      %dma_wait3A_204 = tpu.memref_slice %arg5[%add3A_121, %dma_wait3A_203] : memref<98x128xi32, #tpu.memory_space<vmem>> -> memref<1x128xi32, #tpu.memory_space<vmem>>
      %dma_wait3A_205 = tpu.memref_squeeze %dma_wait3A_204 : memref<1x128xi32, #tpu.memory_space<vmem>> -> memref<128xi32, #tpu.memory_space<vmem>>
      %dma_wait3A_206 = arith.constant 0 : i32
      %dma_wait3A_207 = tpu.memref_slice %arg8[%dma_wait3A_206] : memref<100352xi32, #tpu.memory_space<vmem_shared>> -> memref<100352xi32, #tpu.memory_space<vmem_shared>>
      tpu.wait_indirect_dma semaphore(%arg9 : memref<!tpu.dma_semaphore, #tpu.memory_space<semaphore_mem>>) src(%arg6 : memref<128xi32, #tpu.memory_space<vmem>>) dst(%dma_wait3A_207 : memref<100352xi32, #tpu.memory_space<vmem_shared>>)
      %dma_wait3A_208 = arith.constant 0 : i32
      %dma_wait3A_209 = tpu.memref_slice %arg5[%add3A_130, %dma_wait3A_208] : memref<98x128xi32, #tpu.memory_space<vmem>> -> memref<1x128xi32, #tpu.memory_space<vmem>>
      %dma_wait3A_210 = tpu.memref_squeeze %dma_wait3A_209 : memref<1x128xi32, #tpu.memory_space<vmem>> -> memref<128xi32, #tpu.memory_space<vmem>>
      %dma_wait3A_211 = arith.constant 0 : i32
      %dma_wait3A_212 = tpu.memref_slice %arg8[%dma_wait3A_211] : memref<100352xi32, #tpu.memory_space<vmem_shared>> -> memref<100352xi32, #tpu.memory_space<vmem_shared>>
      tpu.wait_indirect_dma semaphore(%arg9 : memref<!tpu.dma_semaphore, #tpu.memory_space<semaphore_mem>>) src(%arg6 : memref<128xi32, #tpu.memory_space<vmem>>) dst(%dma_wait3A_212 : memref<100352xi32, #tpu.memory_space<vmem_shared>>)
      %dma_wait3A_213 = arith.constant 0 : i32
      %dma_wait3A_214 = tpu.memref_slice %arg5[%add3A_139, %dma_wait3A_213] : memref<98x128xi32, #tpu.memory_space<vmem>> -> memref<1x128xi32, #tpu.memory_space<vmem>>
      %dma_wait3A_215 = tpu.memref_squeeze %dma_wait3A_214 : memref<1x128xi32, #tpu.memory_space<vmem>> -> memref<128xi32, #tpu.memory_space<vmem>>
      %dma_wait3A_216 = arith.constant 0 : i32
      %dma_wait3A_217 = tpu.memref_slice %arg8[%dma_wait3A_216] : memref<100352xi32, #tpu.memory_space<vmem_shared>> -> memref<100352xi32, #tpu.memory_space<vmem_shared>>
      tpu.wait_indirect_dma semaphore(%arg9 : memref<!tpu.dma_semaphore, #tpu.memory_space<semaphore_mem>>) src(%arg6 : memref<128xi32, #tpu.memory_space<vmem>>) dst(%dma_wait3A_217 : memref<100352xi32, #tpu.memory_space<vmem_shared>>)
      %dma_wait3A_218 = arith.constant 0 : i32
      %dma_wait3A_219 = tpu.memref_slice %arg5[%add3A_148, %dma_wait3A_218] : memref<98x128xi32, #tpu.memory_space<vmem>> -> memref<1x128xi32, #tpu.memory_space<vmem>>
      %dma_wait3A_220 = tpu.memref_squeeze %dma_wait3A_219 : memref<1x128xi32, #tpu.memory_space<vmem>> -> memref<128xi32, #tpu.memory_space<vmem>>
      %dma_wait3A_221 = arith.constant 0 : i32
      %dma_wait3A_222 = tpu.memref_slice %arg8[%dma_wait3A_221] : memref<100352xi32, #tpu.memory_space<vmem_shared>> -> memref<100352xi32, #tpu.memory_space<vmem_shared>>
      tpu.wait_indirect_dma semaphore(%arg9 : memref<!tpu.dma_semaphore, #tpu.memory_space<semaphore_mem>>) src(%arg6 : memref<128xi32, #tpu.memory_space<vmem>>) dst(%dma_wait3A_222 : memref<100352xi32, #tpu.memory_space<vmem_shared>>)
    }
    %scan3A_19 = arith.constant 7 : i32
    %barrier3A_20 = arith.constant 0 : index
    tpu.barrier barrier_id(%barrier3A_20)
    %eq3A = arith.constant 0 : i32
    %eq3A_21 = arith.cmpi eq, %arg0, %eq3A : i32
    %convert_element_type3A = arith.extui %eq3A_21 : i1 to i32
    %cond3A = arith.constant 0 : i32
    %cond3A_22 = arith.cmpi ne, %convert_element_type3A, %cond3A : i32
    scf.if %cond3A_22 {
      %mul3A_28 = arith.constant 6272 : i32
      %mul3A_29 = arith.muli %arg1, %mul3A_28 : i32
      %mul3A_30 = arith.constant 6272 : i32
      %mul3A_31 = arith.muli %arg1, %mul3A_30 : i32
      "tpu.region"() ({
        %run_scoped3A = tpu.sem_alloc : memref<!tpu.dma_semaphore, #tpu.memory_space<semaphore_mem>>
        %dma_start3A = tpu.memref_slice %arg3[%mul3A_31] : memref<100352xi32, #tpu.memory_space<hbm>> -> memref<6272xi32, #tpu.memory_space<hbm>>
        %dma_start3A_32 = tpu.memref_slice %arg8[%mul3A_29] : memref<100352xi32, #tpu.memory_space<vmem_shared>> -> memref<6272xi32, #tpu.memory_space<vmem_shared>>
        tpu.enqueue_dma source(%dma_start3A_32 : memref<6272xi32, #tpu.memory_space<vmem_shared>>) target(%dma_start3A : memref<6272xi32, #tpu.memory_space<hbm>>) target_semaphore(%run_scoped3A : memref<!tpu.dma_semaphore, #tpu.memory_space<semaphore_mem>>)
        %dma_wait3A = tpu.memref_slice %arg3[%mul3A_31] : memref<100352xi32, #tpu.memory_space<hbm>> -> memref<6272xi32, #tpu.memory_space<hbm>>
        %dma_wait3A_33 = tpu.memref_slice %arg8[%mul3A_29] : memref<100352xi32, #tpu.memory_space<vmem_shared>> -> memref<6272xi32, #tpu.memory_space<vmem_shared>>
        tpu.wait_dma2 semaphore(%run_scoped3A : memref<!tpu.dma_semaphore, #tpu.memory_space<semaphore_mem>>) src(%dma_wait3A_33 : memref<6272xi32, #tpu.memory_space<vmem_shared>>) dst(%dma_wait3A : memref<6272xi32, #tpu.memory_space<hbm>>)
        tpu.yield
      }) : () -> ()
    } else {
    }
    %eq3A_23 = arith.constant 1 : i32
    %eq3A_24 = arith.cmpi eq, %arg0, %eq3A_23 : i32
    %convert_element_type3A_25 = arith.extui %eq3A_24 : i1 to i32
    %cond3A_26 = arith.constant 0 : i32
    %cond3A_27 = arith.cmpi ne, %convert_element_type3A_25, %cond3A_26 : i32
    scf.if %cond3A_27 {
      %mul3A_28 = arith.constant 6272 : i32
      %mul3A_29 = arith.muli %arg1, %mul3A_28 : i32
      %mul3A_30 = arith.constant 6272 : i32
      %mul3A_31 = arith.muli %arg1, %mul3A_30 : i32
      "tpu.region"() ({
        %run_scoped3A = tpu.sem_alloc : memref<!tpu.dma_semaphore, #tpu.memory_space<semaphore_mem>>
        %dma_start3A = tpu.memref_slice %arg4[%mul3A_31] : memref<100352xi32, #tpu.memory_space<hbm>> -> memref<6272xi32, #tpu.memory_space<hbm>>
        %dma_start3A_32 = tpu.memref_slice %arg8[%mul3A_29] : memref<100352xi32, #tpu.memory_space<vmem_shared>> -> memref<6272xi32, #tpu.memory_space<vmem_shared>>
        tpu.enqueue_dma source(%dma_start3A_32 : memref<6272xi32, #tpu.memory_space<vmem_shared>>) target(%dma_start3A : memref<6272xi32, #tpu.memory_space<hbm>>) target_semaphore(%run_scoped3A : memref<!tpu.dma_semaphore, #tpu.memory_space<semaphore_mem>>)
        %dma_wait3A = tpu.memref_slice %arg4[%mul3A_31] : memref<100352xi32, #tpu.memory_space<hbm>> -> memref<6272xi32, #tpu.memory_space<hbm>>
        %dma_wait3A_33 = tpu.memref_slice %arg8[%mul3A_29] : memref<100352xi32, #tpu.memory_space<vmem_shared>> -> memref<6272xi32, #tpu.memory_space<vmem_shared>>
        tpu.wait_dma2 semaphore(%run_scoped3A : memref<!tpu.dma_semaphore, #tpu.memory_space<semaphore_mem>>) src(%dma_wait3A_33 : memref<6272xi32, #tpu.memory_space<vmem_shared>>) dst(%dma_wait3A : memref<6272xi32, #tpu.memory_space<hbm>>)
        tpu.yield
      }) : () -> ()
    } else {
    }
    return
  }
}

module attributes {stable_mosaic.version = 14 : i64} {
  func.func @_tc_body(%arg0: i32, %arg1: memref<1x1x12544xi32, #tpu.memory_space<vmem>>, %arg2: memref<1x1x12544xi32, #tpu.memory_space<vmem>>, %arg3: memref<7x12544xf32, #tpu.memory_space<vmem>>, %arg4: memref<23x128xf32, #tpu.memory_space<vmem>>, %arg5: memref<12544x128xf32, #tpu.memory_space<vmem>>) attributes {dimension_semantics = [#tpu.dimension_semantics<parallel>], iteration_bounds = array<i64: 8>, scalar_prefetch = 0 : i64, scratch_operands = 0 : i64, tpu.core_type = #tpu.core_type<tc>, window_params = [{transform_indices = @transform_0, window_bounds = array<i64: 1, 1, 12544>}, {transform_indices = @transform_1, window_bounds = array<i64: 1, 1, 12544>}, {transform_indices = @transform_2, window_bounds = array<i64: 7, 12544>}, {pipeline_mode = #tpu.pipeline_mode<synchronous>, transform_indices = @transform_3, window_bounds = array<i64: 23, 128>}, {transform_indices = @transform_4, window_bounds = array<i64: 12544, 128>}]} {
    %get3A = arith.constant 0 : index
    %get3A_0 = arith.constant 0 : index
    %get3A_1 = arith.constant 0 : index
    %get3A_2 = vector.load %arg1[%get3A, %get3A_0, %get3A_1] : memref<1x1x12544xi32, #tpu.memory_space<vmem>>, vector<1x1x12544xi32>
    %get3A_3 = vector.shape_cast %get3A_2 : vector<1x1x12544xi32> to vector<12544xi32>
    %get3A_4 = arith.constant 0 : index
    %get3A_5 = arith.constant 0 : index
    %get3A_6 = arith.constant 0 : index
    %get3A_7 = vector.load %arg2[%get3A_4, %get3A_5, %get3A_6] : memref<1x1x12544xi32, #tpu.memory_space<vmem>>, vector<1x1x12544xi32>
    %get3A_8 = vector.shape_cast %get3A_7 : vector<1x1x12544xi32> to vector<12544xi32>
    %add3A = arith.addi %get3A_3, %get3A_8 : vector<12544xi32>
    %jit3A = arith.constant 2 : i32
    %div3A = vector.broadcast %jit3A : i32 to vector<12544xi32>
    %div3A_9 = arith.divsi %add3A, %div3A : vector<12544xi32>
    %sign3A = arith.constant 0 : i32
    %sign3A_10 = vector.broadcast %sign3A : i32 to vector<12544xi32>
    %sign3A_11 = arith.cmpi sgt, %add3A, %sign3A_10 : vector<12544xi32>
    %sign3A_12 = arith.extui %sign3A_11 : vector<12544xi1> to vector<12544xi32>
    %sign3A_13 = arith.constant 0 : i32
    %sign3A_14 = vector.broadcast %sign3A_13 : i32 to vector<12544xi32>
    %sign3A_15 = arith.cmpi slt, %add3A, %sign3A_14 : vector<12544xi32>
    %sign3A_16 = arith.extui %sign3A_15 : vector<12544xi1> to vector<12544xi32>
    %sign3A_17 = arith.subi %sign3A_12, %sign3A_16 : vector<12544xi32>
    %sign3A_18 = arith.constant 0 : i32
    %sign3A_19 = arith.cmpi sgt, %jit3A, %sign3A_18 : i32
    %sign3A_20 = arith.extui %sign3A_19 : i1 to i32
    %sign3A_21 = arith.constant 0 : i32
    %sign3A_22 = arith.cmpi slt, %jit3A, %sign3A_21 : i32
    %sign3A_23 = arith.extui %sign3A_22 : i1 to i32
    %sign3A_24 = arith.subi %sign3A_20, %sign3A_23 : i32
    %ne3A = vector.broadcast %sign3A_24 : i32 to vector<12544xi32>
    %ne3A_25 = arith.cmpi ne, %sign3A_17, %ne3A : vector<12544xi32>
    %rem3A = vector.broadcast %jit3A : i32 to vector<12544xi32>
    %rem3A_26 = arith.remsi %add3A, %rem3A : vector<12544xi32>
    %ne3A_27 = arith.constant 0 : i32
    %ne3A_28 = vector.broadcast %ne3A_27 : i32 to vector<12544xi32>
    %ne3A_29 = arith.cmpi ne, %rem3A_26, %ne3A_28 : vector<12544xi32>
    %and3A = arith.andi %ne3A_25, %ne3A_29 : vector<12544xi1>
    %sub3A = arith.constant 1 : i32
    %sub3A_30 = vector.broadcast %sub3A : i32 to vector<12544xi32>
    %sub3A_31 = arith.subi %div3A_9, %sub3A_30 : vector<12544xi32>
    %select_n3A = arith.select %and3A, %sub3A_31, %div3A_9 : vector<12544xi1>, vector<12544xi32>
    %min3A = arith.constant 9 : i32
    %min3A_32 = vector.broadcast %min3A : i32 to vector<12544xi32>
    %min3A_33 = arith.minsi %select_n3A, %min3A_32 : vector<12544xi32>
    %broadcast_in_dim3A = vector.shape_cast %min3A_33 : vector<12544xi32> to vector<12544x1xi32>
    %iota3A = tpu.iota {dimensions = array<i32: 1>} : vector<12544x16xi32>
    %eq3A = vector.broadcast %broadcast_in_dim3A : vector<12544x1xi32> to vector<12544x16xi32>
    %eq3A_34 = arith.cmpi eq, %eq3A, %iota3A : vector<12544x16xi32>
    %convert_element_type3A = arith.extui %eq3A_34 : vector<12544x16xi1> to vector<12544x16xi32>
    %convert_element_type3A_35 = arith.sitofp %convert_element_type3A : vector<12544x16xi32> to vector<12544x16xf32>
    %get3A_36 = arith.constant 0 : index
    %get3A_37 = arith.constant 0 : index
    %get3A_38 = vector.load %arg3[%get3A_36, %get3A_37] : memref<7x12544xf32, #tpu.memory_space<vmem>>, vector<7x12544xf32>
    %get3A_39 = arith.constant 0 : index
    %get3A_40 = arith.constant 0 : index
    %get3A_41 = vector.load %arg4[%get3A_39, %get3A_40] : memref<23x128xf32, #tpu.memory_space<vmem>>, vector<7x128xf32>
    %dot_general3A = arith.constant dense<0.000000e+00> : vector<12544x128xf32>
    %dot_general3A_42 = tpu.matmul %get3A_38, %get3A_41, %dot_general3A {dimension_numbers = #tpu.dot_dimension_numbers<[0], [0], [1], [1], [0, 1, 1, 1], [], []>, transpose_lhs_hint = false} : vector<7x12544xf32>, vector<7x128xf32>, vector<12544x128xf32> -> vector<12544x128xf32>
    %get3A_43 = arith.constant 7 : index
    %get3A_44 = arith.constant 0 : index
    %get3A_45 = vector.load %arg4[%get3A_43, %get3A_44] : memref<23x128xf32, #tpu.memory_space<vmem>>, vector<16x128xf32>
    %dot_general3A_46 = arith.constant dense<0.000000e+00> : vector<12544x128xf32>
    %dot_general3A_47 = tpu.matmul %convert_element_type3A_35, %get3A_45, %dot_general3A_46 {dimension_numbers = #tpu.dot_dimension_numbers<[1], [0], [0], [1], [0, 0, 1, 1], [], []>, transpose_lhs_hint = false} : vector<12544x16xf32>, vector<16x128xf32>, vector<12544x128xf32> -> vector<12544x128xf32>
    %add3A_48 = arith.addf %dot_general3A_42, %dot_general3A_47 : vector<12544x128xf32>
    %swap3A = arith.constant 0 : index
    %swap3A_49 = arith.constant 0 : index
    %swap3A_50 = vector.load %arg5[%swap3A, %swap3A_49] : memref<12544x128xf32, #tpu.memory_space<vmem>>, vector<12544x128xf32>
    tpu.vector_store %arg5[%swap3A, %swap3A_49], %add3A_48 {strides = array<i32>} : memref<12544x128xf32, #tpu.memory_space<vmem>>, vector<12544x128xf32>,
    return
  }
  func.func @transform_0(%arg0: i32) -> (i32, i32, i32) {
    %c0_i32 = arith.constant 0 : i32
    %c0_i32_0 = arith.constant 0 : i32
    %c0_i32_1 = arith.constant 0 : i32
    return %arg0, %c0_i32, %c0_i32_0 : i32, i32, i32
  }
  func.func @transform_1(%arg0: i32) -> (i32, i32, i32) {
    %c0_i32 = arith.constant 0 : i32
    %c0_i32_0 = arith.constant 0 : i32
    %c0_i32_1 = arith.constant 0 : i32
    return %arg0, %c0_i32, %c0_i32_0 : i32, i32, i32
  }
  func.func @transform_2(%arg0: i32) -> (i32, i32) {
    %c0_i32 = arith.constant 0 : i32
    %c0_i32_0 = arith.constant 0 : i32
    return %c0_i32, %arg0 : i32, i32
  }
  func.func @transform_3(%arg0: i32) -> (i32, i32) {
    %c0_i32 = arith.constant 0 : i32
    %c0_i32_0 = arith.constant 0 : i32
    %c0_i32_1 = arith.constant 0 : i32
    return %c0_i32, %c0_i32_0 : i32, i32
  }
  func.func @transform_4(%arg0: i32) -> (i32, i32) {
    %c0_i32 = arith.constant 0 : i32
    %c0_i32_0 = arith.constant 0 : i32
    return %arg0, %c0_i32 : i32, i32
  }
}

</mosaic_0001>

<sc_bundles>
// kernel: kernel.4.cloned.1.call-start
scs
__scs_entry_jumppad:
0x0: {  	(pc) =	sbr.rel $0x88, $3  }
0x1: {  	(tag) =	ssettag $0x0;
	lr =	simm.s32 $0x1  }
0x2: {  	[smem:$0x3F9C] =	sst lr;
	_ =	strace $0xD0000000  }
0x3: {  	_ = 	snop  }
0x4: {  	_ = 	snop  }
0x5: {  	_ = 	snop  }
0x6: {  	_ = 	snop  }
0x7: {  	_ = 	snop  }
__scs_overlays_trampoline_lowered:
0x8: {  	[smem:$0x3FAB] =	sst s0  }
0x9: {  	[smem:$0x3FAC] =	sst s1  }
0xa: {  	[smem:$0x3FAD] =	sst s2  }
0xb: {  	[smem:$0x3FAE] =	sst s3  }
0xc: {  	[smem:$0x3FAF] =	sst s4  }
0xd: {  	[smem:$0x3FB0] =	sst s5  }
0xe: {  	[smem:$0x3FB1] =	sst s6  }
0xf: {  	[smem:$0x3FB2] =	sst s7  }
0x10: {  	[smem:$0x3FB3] =	sst s8  }
0x11: {  	[smem:$0x3FB4] =	sst s9;
	s0 =	simm.s32 @!p0 $0x0  }
0x12: {  	s1 =	sld [smem:$0x3F9A];
	s0 =	simm.s32 @p0 $0x1  }
0x13: {  	[smem:$0x3FB5] =	sst s0;
	s0 =	simm.s32 @!p1 $0x0  }
0x14: {  	s2 =	sld [smem:$0x3F99];
	s0 =	simm.s32 @p1 $0x1  }
0x15: {  	[smem:$0x3FB6] =	sst s0;
	s0 =	simm.s32 @!p2 $0x0  }
0x16: {  	s3 =	sld [smem:$0x3FDB];
	s0 =	simm.s32 @p2 $0x1  }
0x17: {  	s4 =	simm.s32 $0x1BF5;
	[smem:$0x3FB8] =	sst s0  }
0x18: {  	s0 =	sld [smem:$0x3F9B];
	_ =	swait.ge [sflag:s4], $0x0  }
0x19: {  	s7 =	sld [smem:$0x3F9C]  }
0x1a: {  	s8 =	sadd.s32 $0xFFFFE003, lr  }
0x1b: {  	s9 =	sadd.s32 $0xFFFFFEF7, lr;
	s5 =	simm.s32 $0xFFFFFFFF;
	p2 =	slt.u32 s8, $0xFFFFF086  }
0x1c: {  	p1 =	slt.u32 s9, $0xF7A;
	s5 =	simm.s32 @!p2 $0x0  }
0x1d: {  	s5 =	simm.s32 @p1 $0x1;
	p0 =	seq.s32 s7, s2  }
0x1e: {  	s7 =	smul.u32 @!p0 $0xF7A, s2;
	p2 =	seq.s32 @!p0 s5, $0x0  }
0x1f: {  	s9 =	smul.u32 $0xF7A, s1;
	s8 =	simm.s32 @!p0 $0x1BF5;
	p2 =	por !p2, p0  }
0x20: {  	[sflag:s8] =	ssyncset.s32 @!p0 $0xFFFFF086;
	s6 =	sadd.s32 @!p0 s3, s7;
	s7 =	simm.s32 @!p0 $0x108  }
0x21: {  	s3 =	sadd.s32 s3, s9;
	s6 =	sadd.s32 @!p0 $0x88, s6;
	s7 =	simm.s32 @p2 $0x1082  }
0x22: {  	[simem:s7], [sflag:s8] =	dma.local @!p0 [hbm:s6], $0xF7A  }
0x23: {  	s9 =	sor.u32 $0xD0000000, s2;
	s6 =	simm.s32 $0x108;
	_ =	swait.ge @!p0 [sflag:s8], $0x0  }
0x24: {  	s3 =	sadd.s32 $0x88, s3;
	s6 =	simm.s32 @!p1 $0x1082;
	[sflag:s4] =	ssyncset.s32 $0xFFFFF086  }
0x25: {  	[simem:s6], [sflag:s4] =	dma.local [hbm:s3], $0xF7A  }
0x26: {  	[smem:$0x3F9C] =	sst s1;
	(tag) =	ssettag s2;
	_ =	strace s9  }
0x27: {  	s1 =	sld [smem:$0x3FAC]  }
0x28: {  	s2 =	sld [smem:$0x3FAD]  }
0x29: {  	s4 =	sld [smem:$0x3FAF]  }
0x2a: {  	p0 =	seq.s32 s5, $0x0;
	s5 =	sld [smem:$0x3FB0]  }
0x2b: {  	s6 =	sld [smem:$0x3FB1]  }
0x2c: {  	s7 =	sld [smem:$0x3FB2]  }
0x2d: {  	s3 =	simm.s32 $0x108;
	s8 =	sld [smem:$0x3FB3]  }
0x2e: {  	s3 =	simm.s32 @!p0 $0x1082;
	s9 =	sld [smem:$0x3FB4]  }
0x2f: {  	lr =	sadd.s32 s0, s3;
	s0 =	sld [smem:$0x3FAB]  }
0x30: {  	s3 =	sld [smem:$0x3FAE]  }
0x31: {  	[smem:$0x3FB7] =	sst s10  }
0x32: {  	s10 =	sld [smem:$0x3FB5];
	_ =	sdelay $0x3  }
0x33: {  	p0 =	seq.s32 s10, $0x1;
	s10 =	sld [smem:$0x3FB7];
	_ =	sdelay $0x3  }
0x34: {  	[smem:$0x3FB7] =	sst s10  }
0x35: {  	s10 =	sld [smem:$0x3FB6];
	_ =	sdelay $0x3  }
0x36: {  	p1 =	seq.s32 s10, $0x1;
	s10 =	sld [smem:$0x3FB7];
	_ =	sdelay $0x3  }
0x37: {  	[smem:$0x3FB7] =	sst s10  }
0x38: {  	s10 =	sld [smem:$0x3FB8]  }
0x39: {  	_ = 	snop;
	(pc) =	sbr.ind lr, $3  }
0x3a: {  	_ = 	snop  }
0x3b: {  	_ = 	snop  }
0x3c: {  	p2 =	seq.s32 s10, $0x1;
	s10 =	sld [smem:$0x3FB7]  }
0x3d: {  	_ =	shalt  }
0x3e: {  	_ =	shalt  }
0x3f: {  	_ =	shalt  }
0x40: {  	_ =	shalt  }
0x41: {  	_ =	shalt  }
0x42: {  	_ =	shalt  }
0x43: {  	_ =	shalt  }
0x44: {  	_ =	shalt  }
0x45: {  	_ =	shalt  }
0x46: {  	_ =	shalt  }
0x47: {  	_ =	shalt  }
0x48: {  	_ =	shalt  }
0x49: {  	_ =	shalt  }
0x4a: {  	_ =	shalt  }
0x4b: {  	_ =	shalt  }
0x4c: {  	_ =	shalt  }
0x4d: {  	_ =	shalt  }
0x4e: {  	_ =	shalt  }
0x4f: {  	_ =	shalt  }
0x50: {  	_ =	shalt  }
0x51: {  	_ =	shalt  }
0x52: {  	_ =	shalt  }
0x53: {  	_ =	shalt  }
0x54: {  	_ =	shalt  }
0x55: {  	_ =	shalt  }
0x56: {  	_ =	shalt  }
0x57: {  	_ =	shalt  }
0x58: {  	_ =	shalt  }
0x59: {  	_ =	shalt  }
0x5a: {  	_ =	shalt  }
0x5b: {  	_ =	shalt  }
0x5c: {  	_ =	shalt  }
0x5d: {  	_ =	shalt  }
0x5e: {  	_ =	shalt  }
0x5f: {  	_ =	shalt  }
0x60: {  	_ =	shalt  }
0x61: {  	_ =	shalt  }
0x62: {  	_ =	shalt  }
0x63: {  	_ =	shalt  }
0x64: {  	_ =	shalt  }
0x65: {  	_ =	shalt  }
0x66: {  	_ =	shalt  }
0x67: {  	_ =	shalt  }
0x68: {  	_ =	shalt  }
0x69: {  	_ =	shalt  }
0x6a: {  	_ =	shalt  }
0x6b: {  	_ =	shalt  }
0x6c: {  	_ =	shalt  }
0x6d: {  	_ =	shalt  }
0x6e: {  	_ =	shalt  }
0x6f: {  	_ =	shalt  }
0x70: {  	_ =	shalt  }
0x71: {  	_ =	shalt  }
0x72: {  	_ =	shalt  }
0x73: {  	_ =	shalt  }
0x74: {  	_ =	shalt  }
0x75: {  	_ =	shalt  }
0x76: {  	_ =	shalt  }
0x77: {  	_ =	shalt  }
0x78: {  	_ =	shalt  }
0x79: {  	_ =	shalt  }
0x7a: {  	_ =	shalt  }
0x7b: {  	_ =	shalt  }
0x7c: {  	_ =	shalt  }
0x7d: {  	_ =	shalt  }
0x7e: {  	_ =	shalt  }
0x7f: {  	_ =	shalt  }
0x80: {  	_ =	shalt  }
0x81: {  	_ =	shalt  }
0x82: {  	_ =	shalt  }
0x83: {  	_ =	shalt  }
0x84: {  	_ =	shalt  }
0x85: {  	_ =	shalt  }
0x86: {  	_ =	shalt  }
0x87: {  	_ =	shalt  }
.Lfunc_end0:
.L_simem_size_0:
called_computation_lowered:
.L_overlay_start_0:
0x88: {  	s2 =	sld [smem:$0x3FD9]  }
0x89: {  	s3 =	sld [smem:$0x3FFE];
	_ =	sdelay $0x1  }
0x8a: {  	s1 =	srdreg.scid  }
0x8b: {  	s0 =	sand.u32 $0x1, s1  }
0x8c: {  	s17 =	sshll.u32 s0, $0xA;
	s2 =	sadd.s32 s3, s2  }
0x8d: {  	s2 =	sadd.s32 s2, s17  }
0x8e: {  	[smem:$0x3FC3] =	sst s2  }
0x8f: {  	_ = 	snop  }
0x90: {  	s2 =	sld [smem:$0x3FD0];
	(tm) =	ssettm $0x1  }
0x91: {  	s18 =	sld [smem:$0x3FFB];
	_ =	sdelay $0x3  }
0x92: {  	_ =	strace s18  }
0x93: {  	s3 =	sld [smem:$0x3FFC];
	_ =	sdelay $0x3  }
0x94: {  	_ =	strace s3  }
0x95: {  	s3 =	sld [smem:$0x3FFD];
	_ =	sdelay $0x3  }
0x96: {  	_ =	strace s3  }
0x97: {  	_ =	strace $0x8FFFFFFF  }
0x98: {  	s19 =	sld [smem:$0x3FDB];
	_ =	sdelay $0x1  }
0x99: {  	s4 =	simm.s32 $_scs_section_size  }
0x9a: {  	s5 =	simm.s32 $_size__tile_overlayer_lowered;
	s6 =	simm.s32 $_tile_overlayer_lowered  }
0x9b: {  	s22 =	simm.s32 $0x1BFF;
	s21 =	sshll.u32 s6, $0x1;
	s3 =	sadd.s32 s4, s19  }
0x9c: {  	s7 =	simm.s32 $0x0;
	s20 =	sshll.u32 s5, $0x1;
	s5 =	sadd.s32 s21, s3  }
0x9d: {  	[timem:s7], [sflag:s22] =	dma.local [hbm:s5], s20  }
0x9e: {  	_ =	swait.ge [sflag:s22], s20  }
0x9f: {  	s4 =	ssub.s32 $0x0, s20;
	[sflag:s22] =	ssyncset.done $0x0  }
0xa0: {  	[sflag:s22] =	ssyncadd.s32 s4;
	_ =	sdelay $0x1  }
0xa1: {  	s23 =	simm.s32 $0x1B8B  }
0xa2: {  	_ =	swait.ge [sflag:s23], $0x1  }
0xa3: {  	[sflag:s23] =	ssyncset.done $0x0  }
0xa4: {  	s25 =	simm.s32 $0x1B8E;
	s24 =	sld [smem:$0x3FFE];
	[sflag:s23] =	ssyncadd.s32 $0xFFFFFFFF  }
0xa5: {  	s26 =	simm.s32 $execute0_lowered;
	[smem:$0x3FD2] =	sst s25  }
0xa6: {  	s5 =	sshll.u32 s26, $0x1;
	_ =	strace $0x80000046;
	[dreg:$0x1] =	wrdreg $0xFFFFFFFF  }
0xa7: {  	s28 =	simm.s32 $_size_execute0_lowered;
	s3 =	sadd.s32 s3, s5;
	[dreg:$0x0] =	wrdreg $0x0  }
0xa8: {  	s5 =	sshll.u32 s28, $0x1;
	[dreg:$0x2] =	wrdreg s3  }
0xa9: {  	[dreg:$0x3] =	wrdreg s5  }
0xaa: {  	[dreg:$0x4] =	wrdreg $0xC0  }
0xab: {  	_ =	task [dreg:s7], $0x5FFFF  }
0xac: {  	[dreg:$0x1] =	wrdreg $0xFFFFFFFF  }
0xad: {  	[dreg:$0x0] =	wrdreg $0x60  }
0xae: {  	[dreg:$0x2] =	wrdreg s2  }
0xaf: {  	[dreg:$0x3] =	wrdreg s24  }
0xb0: {  	[dreg:$0x4] =	wrdreg $0x4D000  }
0xb1: {  	[dreg:$0x5] =	wrdreg $0x9  }
0xb2: {  	_ =	task.clear_ibuf [dreg:s7], $0x6FFFF;
	_ =	strace $0x90000046  }
0xb3: {  	s29 =	simm.s32 $0x9;
	_ =	strace $0x80000048  }
0xb4: {  	_ =	swait.ge [sflag:s29], $0x1  }
0xb5: {  	[sflag:s29] =	ssyncadd.s32 $0xFFFFFFFF  }
0xb6: {  	_ =	strace $0x90000048  }
0xb7: {  	_ =	sfence  }
0xb8: {  	s30 =	sld [smem:$0x0];
	_ =	sdelay $0x2  }
0xb9: {  	s31 =	sshll.u32 s1, $0xD;
	s1 =	sshrl.u32 s1, $0x2  }
0xba: {  	s3 =	sand.u32 $0x4000, s31;
	s1 =	sadd.s32 s1, s30  }
0xbb: {  	s0 =	sor.u32 s3, s0;
	s1 =	sshll.u32 s1, $0x11  }
0xbc: {  	s0 =	sor.u32 s1, s0  }
0xbd: {  	s0 =	sadd.s32 $0x8F2B, s0  }
0xbe: {  	[sflag:s0] =	ssyncadd.remote.s32 $0x1  }
0xbf: {  	_ =	sfence.sel $0xFFFF  }
0xc0: {  	[dreg:$0x0] =	wrdreg $0xFFFFFFFF;
	(pc) =	sbr.abs _section_cstart, $3  }
0xc1: {  	[dreg:$0x1] =	wrdreg $0xFFFFFFFF  }
0xc2: {  	_ =	task.clear_ibuf [dreg:s7], $0x2FFFF;
	_ =	strace $0x9FFFFFFF  }
0xc3: {  	(tm) =	ssettm $0x7FFFFFFF  }
tec
execute0_lowered:
.L_overlay_start_1:
0x0: {  	(tag) =	ssettag $0x1  }
0x1: {  	s4 =	rddreg [dreg:$0x0]  }
0x2: {  	s5 =	rddreg [dreg:$0x1];
	s0 =	srdreg.scid  }
0x3: {  	s2 =	rddreg [dreg:$0x2];
	s1 =	stileid.u32  }
0x4: {  	s3 =	simm.s32 $0x0;
	s11 =	simm.s32 $0x3400;
	s12 =	simm.s32 $0x1  }
0x5: {  	s15 =	simm.s32 $0x0;
	s6 =	sand.u32 $0x1, s0;
	s0 =	rddreg [dreg:$0x3]  }
0x6: {  	[smem:$0x7FF] =	sst s3;
	s10 =	smul.u32 $0x1880, s1;
	s13 =	sshll.u32 s1, $0x6  }
0x7: {  	s7 =	sshll.u32 s6, $0x4;
	s8 =	ssub.s32 $0x2, s6;
	p0 =	seq.s32 s6, $0x1  }
0x8: {  	s6 =	simm.s32 $0x4600;
	_ =	strace $0x80000047;
	s13 =	sor.u32 $0x1C02, s13  }
0x9: {  	s7 =	sor.u32 s1, s7;
	s9 =	sshrl.u32 s8, $0x1;
	s6 =	simm.s32 @!p0 $0x1400  }
0xa: {  	s30 =	sshrl.u32 s10, $0x3;
	s7 =	smul.u32 $0x680, s7;
	s8 =	ssub.s32 s8, s9  }
0xb: {  	s31 =	sadd.s32 s6, s5;
	s5 =	sadd.s32 s10, s2;
	s9 =	simm.s32 $0x3480  }
0xc: {  	s10 =	simm.s32 $0x80;
	s6 =	smax.u32 s8, $0x1;
	s8 =	simm.s32 $0x2  }
0xd: {  	v0 =	vimm.s32 $0x1;
	v1 =	vimm.s32 $0x0;
	s14 =	sshrl.u32 s5, $0x3;
	s4 =	sadd.s32 s4, s7;
	s7 =	sadd.s32 s31, s30  }
.LBB2_1:
0xe: {  	[tilespmem:s3], [sflag:$0x2] =	stream.linear.gather [hbm4b:s4+s3], $0x3100, $0x38;
	[tilespmem:$0x6580] =	vst v63  }
0xf: {  	_ =	swait.ge [sflag:s8], $0x3100  }
0x10: {  	[sflag:s8] =	ssyncset.done $0x0  }
0x11: {  	[sflag:s8] =	ssyncadd.s32 $0xFFFFCF00  }
0x12: {  	[tilespmem:$0x3400] =	vst v0  }
0x13: {  	[tilespmem:$0x3410] =	vst v0  }
0x14: {  	[tilespmem:$0x3420] =	vst v0  }
0x15: {  	[tilespmem:$0x3430] =	vst v0  }
0x16: {  	[tilespmem:$0x3440] =	vst v0  }
0x17: {  	[tilespmem:$0x3450] =	vst v0  }
0x18: {  	[tilespmem:$0x3460] =	vst v0  }
0x19: {  	s16 =	simm.s32 $0x40;
	s17 =	simm.s32 $0x0;
	[tilespmem:$0x3470] =	vst v0  }
.LBB2_2:
0x1a: {  	p0 =	sne.s32 s16, $0x61C0;
	[tilespmem:s17+$0x3480] =	vst v1;
	s17 =	smov.u32 s16;
	s16 =	sadd.s32 $0x40, s16  }
.Ltmp0:
0x1b: {  	(pc) =	sbr.rel @p0 .LBB2_2-.Ltmp0, $2  }
0x1c: {  	_ =	sdelay $0x2  }
0x1d: {  	s17 =	sshra.s32 s17, $0x2  }
0x1e: {  	[tilespmem:s17+$0x3480] =	vst v1  }
0x1f: {  	[spmem:s5] =	stream.linear.scatter [tilespmem:s9], [sflag:$0x2], $0x1880, $0x38;
	[tilespmem:$0x6580] =	vst v63  }
0x20: {  	_ =	swait.ge [sflag:s8], $0x1880  }
0x21: {  	[sflag:s8] =	ssyncset.done $0x0  }
0x22: {  	[sflag:s8] =	ssyncadd.s32 $0xFFFFE780  }
0x23: {  	s16 =	simm.s32 $0x0;
	[bflag:$0x0] =	sbarrier.arrive $0xFFFF  }
0x24: {  	[spmem:s2] =	stream.indirect.scatter.add.s32 [tilespmem:s11], [sflag:$0x1], $0x1, s16, s10, $0xb8;
	[tilespmem:$0x6580] =	vst v63  }
0x25: {  	s18 =	simm.s32 $0x80  }
0x26: {  	[spmem:s2] =	stream.indirect.scatter.add.s32 [tilespmem:s11], [sflag:$0x1], $0x1, s18, s10, $0xb8;
	[tilespmem:$0x6580] =	vst v63  }
0x27: {  	s19 =	simm.s32 $0x100  }
0x28: {  	[spmem:s2] =	stream.indirect.scatter.add.s32 [tilespmem:s11], [sflag:$0x1], $0x1, s19, s10, $0xb8;
	[tilespmem:$0x6580] =	vst v63  }
0x29: {  	s20 =	simm.s32 $0x180  }
0x2a: {  	[spmem:s2] =	stream.indirect.scatter.add.s32 [tilespmem:s11], [sflag:$0x1], $0x1, s20, s10, $0xb8;
	[tilespmem:$0x6580] =	vst v63  }
0x2b: {  	s21 =	simm.s32 $0x200  }
0x2c: {  	[spmem:s2] =	stream.indirect.scatter.add.s32 [tilespmem:s11], [sflag:$0x1], $0x1, s21, s10, $0xb8;
	[tilespmem:$0x6580] =	vst v63  }
0x2d: {  	s22 =	simm.s32 $0x280  }
0x2e: {  	[spmem:s2] =	stream.indirect.scatter.add.s32 [tilespmem:s11], [sflag:$0x1], $0x1, s22, s10, $0xb8;
	[tilespmem:$0x6580] =	vst v63  }
0x2f: {  	s23 =	simm.s32 $0x300  }
0x30: {  	[spmem:s2] =	stream.indirect.scatter.add.s32 [tilespmem:s11], [sflag:$0x1], $0x1, s23, s10, $0xb8;
	[tilespmem:$0x6580] =	vst v63  }
0x31: {  	s24 =	simm.s32 $0x380  }
0x32: {  	[spmem:s2] =	stream.indirect.scatter.add.s32 [tilespmem:s11], [sflag:$0x1], $0x1, s24, s10, $0xb8;
	[tilespmem:$0x6580] =	vst v63  }
0x33: {  	s25 =	simm.s32 $0x400  }
0x34: {  	[spmem:s2] =	stream.indirect.scatter.add.s32 [tilespmem:s11], [sflag:$0x1], $0x1, s25, s10, $0xb8;
	[tilespmem:$0x6580] =	vst v63  }
0x35: {  	s26 =	simm.s32 $0x480  }
0x36: {  	[spmem:s2] =	stream.indirect.scatter.add.s32 [tilespmem:s11], [sflag:$0x1], $0x1, s26, s10, $0xb8;
	[tilespmem:$0x6580] =	vst v63  }
0x37: {  	s28 =	simm.s32 $0x500  }
0x38: {  	[spmem:s2] =	stream.indirect.scatter.add.s32 [tilespmem:s11], [sflag:$0x1], $0x1, s28, s10, $0xb8;
	[tilespmem:$0x6580] =	vst v63  }
0x39: {  	s29 =	simm.s32 $0x580  }
0x3a: {  	[spmem:s2] =	stream.indirect.scatter.add.s32 [tilespmem:s11], [sflag:$0x1], $0x1, s29, s10, $0xb8;
	[tilespmem:$0x6580] =	vst v63  }
0x3b: {  	s30 =	simm.s32 $0x600  }
0x3c: {  	[spmem:s2] =	stream.indirect.scatter.add.s32 [tilespmem:s11], [sflag:$0x1], $0x1, s30, s10, $0xb8;
	[tilespmem:$0x6580] =	vst v63  }
0x3d: {  	s31 =	simm.s32 $0x680  }
0x3e: {  	[spmem:s2] =	stream.indirect.scatter.add.s32 [tilespmem:s11], [sflag:$0x1], $0x1, s31, s10, $0xb8;
	[tilespmem:$0x6580] =	vst v63  }
0x3f: {  	_ =	swait.ge [sflag:s12], $0x80  }
0x40: {  	[sflag:s12] =	ssyncset.done $0x0  }
0x41: {  	[sflag:s12] =	ssyncadd.s32 $0xFFFFFF80  }
0x42: {  	_ =	swait.ge [sflag:s12], $0x80  }
0x43: {  	[sflag:s12] =	ssyncset.done $0x0  }
0x44: {  	[sflag:s12] =	ssyncadd.s32 $0xFFFFFF80  }
0x45: {  	_ =	swait.ge [sflag:s12], $0x80  }
0x46: {  	[sflag:s12] =	ssyncset.done $0x0  }
0x47: {  	[sflag:s12] =	ssyncadd.s32 $0xFFFFFF80  }
0x48: {  	_ =	swait.ge [sflag:s12], $0x80  }
0x49: {  	[sflag:s12] =	ssyncset.done $0x0  }
0x4a: {  	[sflag:s12] =	ssyncadd.s32 $0xFFFFFF80  }
0x4b: {  	_ =	swait.ge [sflag:s12], $0x80  }
0x4c: {  	[sflag:s12] =	ssyncset.done $0x0  }
0x4d: {  	[sflag:s12] =	ssyncadd.s32 $0xFFFFFF80  }
0x4e: {  	_ =	swait.ge [sflag:s12], $0x80  }
0x4f: {  	[sflag:s12] =	ssyncset.done $0x0  }
0x50: {  	[sflag:s12] =	ssyncadd.s32 $0xFFFFFF80  }
0x51: {  	_ =	swait.ge [sflag:s12], $0x80  }
0x52: {  	[sflag:s12] =	ssyncset.done $0x0  }
0x53: {  	[sflag:s12] =	ssyncadd.s32 $0xFFFFFF80  }
0x54: {  	_ =	swait.ge [sflag:s12], $0x80  }
0x55: {  	[sflag:s12] =	ssyncset.done $0x0  }
0x56: {  	[sflag:s12] =	ssyncadd.s32 $0xFFFFFF80  }
0x57: {  	_ =	swait.ge [sflag:s12], $0x80  }
0x58: {  	[sflag:s12] =	ssyncset.done $0x0  }
0x59: {  	[sflag:s12] =	ssyncadd.s32 $0xFFFFFF80  }
0x5a: {  	_ =	swait.ge [sflag:s12], $0x80  }
0x5b: {  	[sflag:s12] =	ssyncset.done $0x0  }
0x5c: {  	[sflag:s12] =	ssyncadd.s32 $0xFFFFFF80  }
0x5d: {  	_ =	swait.ge [sflag:s12], $0x80  }
0x5e: {  	[sflag:s12] =	ssyncset.done $0x0  }
0x5f: {  	[sflag:s12] =	ssyncadd.s32 $0xFFFFFF80  }
0x60: {  	_ =	swait.ge [sflag:s12], $0x80  }
0x61: {  	[sflag:s12] =	ssyncset.done $0x0  }
0x62: {  	[sflag:s12] =	ssyncadd.s32 $0xFFFFFF80  }
0x63: {  	_ =	swait.ge [sflag:s12], $0x80  }
0x64: {  	[sflag:s12] =	ssyncset.done $0x0  }
0x65: {  	[sflag:s12] =	ssyncadd.s32 $0xFFFFFF80  }
0x66: {  	_ =	swait.ge [sflag:s12], $0x80  }
0x67: {  	s16 =	simm.s32 $0x1C00;
	s18 =	simm.s32 $0x3800;
	[sflag:s12] =	ssyncset.done $0x0  }
.LBB2_4:
0x68: {  	s19 =	sshra.s32 s16, $0x2  }
0x69: {  	[sflag:s12] =	ssyncadd.s32 $0xFFFFFF80;
	s16 =	smov.u32 s18;
	s17 =	sadd.s32 $0x1C00, s18  }
0x6a: {  	[spmem:s2] =	stream.indirect.scatter.add.s32 [tilespmem:s11], [sflag:$0x1], $0x1, s19, s10, $0xb8;
	[tilespmem:$0x6580] =	vst v63  }
0x6b: {  	p0 =	sne.s32 s18, $0xA800;
	s18 =	sadd.s32 $0x80, s19  }
0x6c: {  	[spmem:s2] =	stream.indirect.scatter.add.s32 [tilespmem:s11], [sflag:$0x1], $0x1, s18, s10, $0xb8;
	[tilespmem:$0x6580] =	vst v63  }
0x6d: {  	s18 =	sadd.s32 $0x100, s19  }
0x6e: {  	[spmem:s2] =	stream.indirect.scatter.add.s32 [tilespmem:s11], [sflag:$0x1], $0x1, s18, s10, $0xb8;
	[tilespmem:$0x6580] =	vst v63  }
0x6f: {  	s18 =	sadd.s32 $0x180, s19  }
0x70: {  	[spmem:s2] =	stream.indirect.scatter.add.s32 [tilespmem:s11], [sflag:$0x1], $0x1, s18, s10, $0xb8;
	[tilespmem:$0x6580] =	vst v63  }
0x71: {  	s18 =	sadd.s32 $0x200, s19  }
0x72: {  	[spmem:s2] =	stream.indirect.scatter.add.s32 [tilespmem:s11], [sflag:$0x1], $0x1, s18, s10, $0xb8;
	[tilespmem:$0x6580] =	vst v63  }
0x73: {  	s18 =	sadd.s32 $0x280, s19  }
0x74: {  	[spmem:s2] =	stream.indirect.scatter.add.s32 [tilespmem:s11], [sflag:$0x1], $0x1, s18, s10, $0xb8;
	[tilespmem:$0x6580] =	vst v63  }
0x75: {  	s18 =	sadd.s32 $0x300, s19  }
0x76: {  	[spmem:s2] =	stream.indirect.scatter.add.s32 [tilespmem:s11], [sflag:$0x1], $0x1, s18, s10, $0xb8;
	[tilespmem:$0x6580] =	vst v63  }
0x77: {  	s18 =	sadd.s32 $0x380, s19  }
0x78: {  	[spmem:s2] =	stream.indirect.scatter.add.s32 [tilespmem:s11], [sflag:$0x1], $0x1, s18, s10, $0xb8;
	[tilespmem:$0x6580] =	vst v63  }
0x79: {  	s18 =	sadd.s32 $0x400, s19  }
0x7a: {  	[spmem:s2] =	stream.indirect.scatter.add.s32 [tilespmem:s11], [sflag:$0x1], $0x1, s18, s10, $0xb8;
	[tilespmem:$0x6580] =	vst v63  }
0x7b: {  	s18 =	sadd.s32 $0x480, s19  }
0x7c: {  	[spmem:s2] =	stream.indirect.scatter.add.s32 [tilespmem:s11], [sflag:$0x1], $0x1, s18, s10, $0xb8;
	[tilespmem:$0x6580] =	vst v63  }
0x7d: {  	s18 =	sadd.s32 $0x500, s19  }
0x7e: {  	[spmem:s2] =	stream.indirect.scatter.add.s32 [tilespmem:s11], [sflag:$0x1], $0x1, s18, s10, $0xb8;
	[tilespmem:$0x6580] =	vst v63  }
0x7f: {  	s18 =	sadd.s32 $0x580, s19  }
0x80: {  	[spmem:s2] =	stream.indirect.scatter.add.s32 [tilespmem:s11], [sflag:$0x1], $0x1, s18, s10, $0xb8;
	[tilespmem:$0x6580] =	vst v63  }
0x81: {  	s18 =	sadd.s32 $0x600, s19  }
0x82: {  	[spmem:s2] =	stream.indirect.scatter.add.s32 [tilespmem:s11], [sflag:$0x1], $0x1, s18, s10, $0xb8;
	[tilespmem:$0x6580] =	vst v63  }
0x83: {  	s18 =	sadd.s32 $0x680, s19  }
0x84: {  	[spmem:s2] =	stream.indirect.scatter.add.s32 [tilespmem:s11], [sflag:$0x1], $0x1, s18, s10, $0xb8;
	[tilespmem:$0x6580] =	vst v63  }
0x85: {  	_ =	swait.ge [sflag:s12], $0x80  }
0x86: {  	[sflag:s12] =	ssyncset.done $0x0  }
0x87: {  	[sflag:s12] =	ssyncadd.s32 $0xFFFFFF80  }
0x88: {  	_ =	swait.ge [sflag:s12], $0x80  }
0x89: {  	[sflag:s12] =	ssyncset.done $0x0  }
0x8a: {  	[sflag:s12] =	ssyncadd.s32 $0xFFFFFF80  }
0x8b: {  	_ =	swait.ge [sflag:s12], $0x80  }
0x8c: {  	[sflag:s12] =	ssyncset.done $0x0  }
0x8d: {  	[sflag:s12] =	ssyncadd.s32 $0xFFFFFF80  }
0x8e: {  	_ =	swait.ge [sflag:s12], $0x80  }
0x8f: {  	[sflag:s12] =	ssyncset.done $0x0  }
0x90: {  	[sflag:s12] =	ssyncadd.s32 $0xFFFFFF80  }
0x91: {  	_ =	swait.ge [sflag:s12], $0x80  }
0x92: {  	[sflag:s12] =	ssyncset.done $0x0  }
0x93: {  	[sflag:s12] =	ssyncadd.s32 $0xFFFFFF80  }
0x94: {  	_ =	swait.ge [sflag:s12], $0x80  }
0x95: {  	[sflag:s12] =	ssyncset.done $0x0  }
0x96: {  	[sflag:s12] =	ssyncadd.s32 $0xFFFFFF80  }
0x97: {  	_ =	swait.ge [sflag:s12], $0x80  }
0x98: {  	[sflag:s12] =	ssyncset.done $0x0  }
0x99: {  	[sflag:s12] =	ssyncadd.s32 $0xFFFFFF80  }
0x9a: {  	_ =	swait.ge [sflag:s12], $0x80  }
0x9b: {  	[sflag:s12] =	ssyncset.done $0x0  }
0x9c: {  	[sflag:s12] =	ssyncadd.s32 $0xFFFFFF80  }
0x9d: {  	_ =	swait.ge [sflag:s12], $0x80  }
0x9e: {  	[sflag:s12] =	ssyncset.done $0x0  }
0x9f: {  	[sflag:s12] =	ssyncadd.s32 $0xFFFFFF80  }
0xa0: {  	_ =	swait.ge [sflag:s12], $0x80  }
0xa1: {  	[sflag:s12] =	ssyncset.done $0x0  }
0xa2: {  	[sflag:s12] =	ssyncadd.s32 $0xFFFFFF80  }
0xa3: {  	_ =	swait.ge [sflag:s12], $0x80  }
0xa4: {  	[sflag:s12] =	ssyncset.done $0x0  }
0xa5: {  	[sflag:s12] =	ssyncadd.s32 $0xFFFFFF80  }
0xa6: {  	_ =	swait.ge [sflag:s12], $0x80  }
0xa7: {  	[sflag:s12] =	ssyncset.done $0x0  }
0xa8: {  	[sflag:s12] =	ssyncadd.s32 $0xFFFFFF80  }
.Ltmp1:
0xa9: {  	_ =	swait.ge [sflag:s12], $0x80;
	(pc) =	sbr.rel @p0 .LBB2_4-.Ltmp1, $4  }
0xaa: {  	[sflag:s12] =	ssyncset.done $0x0  }
0xab: {  	[sflag:s12] =	ssyncadd.s32 $0xFFFFFF80  }
0xac: {  	_ =	swait.ge [sflag:s12], $0x80  }
0xad: {  	s18 =	smov.u32 s17;
	[sflag:s12] =	ssyncset.done $0x0  }
0xae: {  	s16 =	sshra.s32 s16, $0x2;
	[sflag:s12] =	ssyncadd.s32 $0xFFFFFF80  }
0xaf: {  	[spmem:s2] =	stream.indirect.scatter.add.s32 [tilespmem:s11], [sflag:$0x1], $0x1, s16, s10, $0xb8;
	[tilespmem:$0x6580] =	vst v63  }
0xb0: {  	s17 =	sadd.s32 $0x80, s16  }
0xb1: {  	[spmem:s2] =	stream.indirect.scatter.add.s32 [tilespmem:s11], [sflag:$0x1], $0x1, s17, s10, $0xb8;
	[tilespmem:$0x6580] =	vst v63  }
0xb2: {  	s20 =	sadd.s32 $0x100, s16  }
0xb3: {  	[spmem:s2] =	stream.indirect.scatter.add.s32 [tilespmem:s11], [sflag:$0x1], $0x1, s20, s10, $0xb8;
	[tilespmem:$0x6580] =	vst v63  }
0xb4: {  	s21 =	sadd.s32 $0x180, s16  }
0xb5: {  	[spmem:s2] =	stream.indirect.scatter.add.s32 [tilespmem:s11], [sflag:$0x1], $0x1, s21, s10, $0xb8;
	[tilespmem:$0x6580] =	vst v63  }
0xb6: {  	s22 =	sadd.s32 $0x200, s16  }
0xb7: {  	[spmem:s2] =	stream.indirect.scatter.add.s32 [tilespmem:s11], [sflag:$0x1], $0x1, s22, s10, $0xb8;
	[tilespmem:$0x6580] =	vst v63  }
0xb8: {  	s23 =	sadd.s32 $0x280, s16  }
0xb9: {  	[spmem:s2] =	stream.indirect.scatter.add.s32 [tilespmem:s11], [sflag:$0x1], $0x1, s23, s10, $0xb8;
	[tilespmem:$0x6580] =	vst v63  }
0xba: {  	s24 =	sadd.s32 $0x300, s16  }
0xbb: {  	[spmem:s2] =	stream.indirect.scatter.add.s32 [tilespmem:s11], [sflag:$0x1], $0x1, s24, s10, $0xb8;
	[tilespmem:$0x6580] =	vst v63  }
0xbc: {  	s25 =	sadd.s32 $0x380, s16  }
0xbd: {  	[spmem:s2] =	stream.indirect.scatter.add.s32 [tilespmem:s11], [sflag:$0x1], $0x1, s25, s10, $0xb8;
	[tilespmem:$0x6580] =	vst v63  }
0xbe: {  	s26 =	sadd.s32 $0x400, s16  }
0xbf: {  	[spmem:s2] =	stream.indirect.scatter.add.s32 [tilespmem:s11], [sflag:$0x1], $0x1, s26, s10, $0xb8;
	[tilespmem:$0x6580] =	vst v63  }
0xc0: {  	s28 =	sadd.s32 $0x480, s16  }
0xc1: {  	[spmem:s2] =	stream.indirect.scatter.add.s32 [tilespmem:s11], [sflag:$0x1], $0x1, s28, s10, $0xb8;
	[tilespmem:$0x6580] =	vst v63  }
0xc2: {  	s29 =	sadd.s32 $0x500, s16  }
0xc3: {  	[spmem:s2] =	stream.indirect.scatter.add.s32 [tilespmem:s11], [sflag:$0x1], $0x1, s29, s10, $0xb8;
	[tilespmem:$0x6580] =	vst v63  }
0xc4: {  	s30 =	sadd.s32 $0x580, s16  }
0xc5: {  	[spmem:s2] =	stream.indirect.scatter.add.s32 [tilespmem:s11], [sflag:$0x1], $0x1, s30, s10, $0xb8;
	[tilespmem:$0x6580] =	vst v63  }
0xc6: {  	s31 =	sadd.s32 $0x600, s16  }
0xc7: {  	[spmem:s2] =	stream.indirect.scatter.add.s32 [tilespmem:s11], [sflag:$0x1], $0x1, s31, s10, $0xb8;
	[tilespmem:$0x6580] =	vst v63  }
0xc8: {  	s16 =	sadd.s32 $0x680, s16  }
0xc9: {  	[spmem:s2] =	stream.indirect.scatter.add.s32 [tilespmem:s11], [sflag:$0x1], $0x1, s16, s10, $0xb8;
	[tilespmem:$0x6580] =	vst v63  }
0xca: {  	_ =	swait.ge [sflag:s12], $0x80  }
0xcb: {  	[sflag:s12] =	ssyncset.done $0x0  }
0xcc: {  	[sflag:s12] =	ssyncadd.s32 $0xFFFFFF80  }
0xcd: {  	_ =	swait.ge [sflag:s12], $0x80  }
0xce: {  	[sflag:s12] =	ssyncset.done $0x0  }
0xcf: {  	[sflag:s12] =	ssyncadd.s32 $0xFFFFFF80  }
0xd0: {  	_ =	swait.ge [sflag:s12], $0x80  }
0xd1: {  	[sflag:s12] =	ssyncset.done $0x0  }
0xd2: {  	[sflag:s12] =	ssyncadd.s32 $0xFFFFFF80  }
0xd3: {  	_ =	swait.ge [sflag:s12], $0x80  }
0xd4: {  	[sflag:s12] =	ssyncset.done $0x0  }
0xd5: {  	[sflag:s12] =	ssyncadd.s32 $0xFFFFFF80  }
0xd6: {  	_ =	swait.ge [sflag:s12], $0x80  }
0xd7: {  	[sflag:s12] =	ssyncset.done $0x0  }
0xd8: {  	[sflag:s12] =	ssyncadd.s32 $0xFFFFFF80  }
0xd9: {  	_ =	swait.ge [sflag:s12], $0x80  }
0xda: {  	[sflag:s12] =	ssyncset.done $0x0  }
0xdb: {  	[sflag:s12] =	ssyncadd.s32 $0xFFFFFF80  }
0xdc: {  	_ =	swait.ge [sflag:s12], $0x80  }
0xdd: {  	[sflag:s12] =	ssyncset.done $0x0  }
0xde: {  	[sflag:s12] =	ssyncadd.s32 $0xFFFFFF80  }
0xdf: {  	_ =	swait.ge [sflag:s12], $0x80  }
0xe0: {  	[sflag:s12] =	ssyncset.done $0x0  }
0xe1: {  	[sflag:s12] =	ssyncadd.s32 $0xFFFFFF80  }
0xe2: {  	_ =	swait.ge [sflag:s12], $0x80  }
0xe3: {  	[sflag:s12] =	ssyncset.done $0x0  }
0xe4: {  	[sflag:s12] =	ssyncadd.s32 $0xFFFFFF80  }
0xe5: {  	_ =	swait.ge [sflag:s12], $0x80  }
0xe6: {  	[sflag:s12] =	ssyncset.done $0x0  }
0xe7: {  	[sflag:s12] =	ssyncadd.s32 $0xFFFFFF80  }
0xe8: {  	_ =	swait.ge [sflag:s12], $0x80  }
0xe9: {  	[sflag:s12] =	ssyncset.done $0x0  }
0xea: {  	[sflag:s12] =	ssyncadd.s32 $0xFFFFFF80  }
0xeb: {  	_ =	swait.ge [sflag:s12], $0x80  }
0xec: {  	[sflag:s12] =	ssyncset.done $0x0  }
0xed: {  	[sflag:s12] =	ssyncadd.s32 $0xFFFFFF80  }
0xee: {  	_ =	swait.ge [sflag:s12], $0x80  }
0xef: {  	[sflag:s12] =	ssyncset.done $0x0  }
0xf0: {  	[sflag:s12] =	ssyncadd.s32 $0xFFFFFF80  }
0xf1: {  	_ =	swait.ge [sflag:s12], $0x80  }
0xf2: {  	s15 =	sadd.s32 $0x1, s15;
	[sflag:s12] =	ssyncset.done $0x0  }
0xf3: {  	p0 =	sne.s32 s15, s6;
	[sflag:s12] =	ssyncadd.s32 $0xFFFFFF80  }
.Ltmp2:
0xf4: {  	[bflag:$0x0] =	sbarrier.arrive $0xFFFF;
	(pc) =	sbr.rel @p0 .LBB2_1-.Ltmp2, $4  }
0xf5: {  	[hbm:s7], [sflag:s13] =	dma.local [spmem:s14], $0x310  }
0xf6: {  	_ =	swait.ge [sflag:s8], $0x310  }
0xf7: {  	[sflag:s8] =	ssyncset.done $0x0  }
0xf8: {  	[sflag:s8] =	ssyncadd.s32 $0xFFFFFCF0  }
0xf9: {  	_ =	sfence.sel $0x180000  }
0xfa: {  	[bflag:$0x0] =	sbarrier.arrive $0xFFFF  }
0xfb: {  	p0 =	sne.s32 s1, $0x0;
	_ =	strace $0x90000047  }
0xfc: {  	s0 =	sadd.s32 @!p0 $0x100000, s0;
	[bflag:$0x2] =	sbarrier.arrive $0xFFFF  }
0xfd: {  	[sflag:s0] =	ssyncadd.tile.s32 @!p0 $0x1;
	_ =	shalt  }
.Lfunc_end2:
_tile_overlayer_lowered:
.L_overlay_start_2:
0xfe: {  	(tag) =	ssettag $0x2  }
0xff: {  	s0 =	rddreg [dreg:$0x0];
	s2 =	stileid.u32  }
0x100: {  	s1 =	rddreg [dreg:$0x1];
	p0 =	sne.s32 s2, $0x0  }
0x101: {  	s3 =	rddreg [dreg:$0x2];
	[bflag:$0x3] =	sbarrier.arrive $0xFFFF;
	s2 =	simm.s32 @!p0 $0x1C02  }
0x102: {  	[timem:s3], [sflag:s2] =	dma.local @!p0 [hbm:s0], s1  }
0x103: {  	s0 =	simm.s32 @!p0 $0x2  }
0x104: {  	_ =	swait.ge @!p0 [sflag:s0], s1  }
0x105: {  	s1 =	ssub.s32 @!p0 $0x0, s1;
	[sflag:s0] =	ssyncset.done @!p0 $0x0  }
0x106: {  	[sflag:s0] =	ssyncadd.s32 @!p0 s1  }
0x107: {  	[bflag:$0x3] =	sbarrier.arrive $0xFFFF  }
0x108: {  	_ =	shalt  }

</sc_bundles>
